<compile_context>
chip_gen: v7x
topology: tpu7x:2x2x1
jax: 0.10.2.dev20260603
libtpu: 0.0.44.dev20260713+nightly
codegen_flags: <defaults>
</compile_context>

<pallas_src>
import functools

import jax
import jax.numpy as jnp
from jax import lax
from jax.experimental import pallas as pl
from jax.experimental.pallas import tpu as pltpu
from jax.experimental.pallas import tpu_sc as plsc

H = 128
WPAD = H + 16
CH = 128
NC, NS = 2, 16
NW = NC * NS


def _silu(x):
    return x * jax.nn.sigmoid(x)


def _prep_body(h_ref, pos_ref, w1a_ref, w1b_ref, pa_ref, qa_ref):
    h = h_ref[...]
    pa_ref[:, :H] = jnp.dot(h, w1a_ref[...], preferred_element_type=jnp.float32)
    qa_ref[:, :H] = jnp.dot(h, w1b_ref[...], preferred_element_type=jnp.float32)
    p16 = pos_ref[...]
    pa_ref[:, H:WPAD] = -p16
    qa_ref[:, H:WPAD] = p16


def _edge_body(ga_ref, gb_ref, ea_ref, w1e_ref, wd_ref, b1_ref, w2_ref,
               b2_ref, wc1_ref, bc1_ref, wc2_ref, out_ref):
    ga = ga_ref[...]
    gb = gb_ref[...]
    pq = ga[:, :H] + gb[:, :H]
    relp = ga[:, H:WPAD] + gb[:, H:WPAD]
    d2 = jnp.sum(relp * relp, axis=1, keepdims=True)
    dist = jnp.maximum(jnp.sqrt(d2), 1e-6)
    pre = (pq + dist * wd_ref[...] + b1_ref[...]
           + jnp.dot(ea_ref[...], w1e_ref[...],
                     preferred_element_type=jnp.float32))
    x = _silu(pre)
    m = _silu(jnp.dot(x, w2_ref[...], preferred_element_type=jnp.float32)
              + b2_ref[...])
    t = _silu(jnp.dot(m, wc1_ref[...], preferred_element_type=jnp.float32)
              + bc1_ref[...])
    cw8 = jnp.dot(t, wc2_ref[...], preferred_element_type=jnp.float32)
    cw = cw8[:, 0:1]
    out_ref[:, :H] = m
    out_ref[:, H:WPAD] = relp * cw


def _node_body(h_ref, pos_ref, g0_ref, g1_ref, wn1a_ref, wn1b_ref, bn1_ref,
               wn2_ref, bn2_ref, gam_ref, bet_ref, ho_ref, po_ref):
    h = h_ref[...]
    agg = g0_ref[...] + g1_ref[...]
    h_agg = agg[:, :H]
    coord = agg[:, H:WPAD]
    u = (jnp.dot(h, wn1a_ref[...], preferred_element_type=jnp.float32)
         + jnp.dot(h_agg, wn1b_ref[...], preferred_element_type=jnp.float32)
         + bn1_ref[...])
    hn = jnp.dot(_silu(u), wn2_ref[...], preferred_element_type=jnp.float32) \
        + bn2_ref[...]
    ho = h + hn
    mu = jnp.mean(ho, axis=1, keepdims=True)
    var = jnp.mean((ho - mu) * (ho - mu), axis=1, keepdims=True)
    ho = (ho - mu) * lax.rsqrt(var + 1e-5) * gam_ref[...] + bet_ref[...]
    ho_ref[...] = ho
    po_ref[...] = pos_ref[...] + coord


def _make_gather_kernel(n_nodes, n_edges):
    nch = n_edges // CH
    mesh = plsc.VectorSubcoreMesh(core_axis_name="c", subcore_axis_name="s",
                                  num_cores=NC, num_subcores=NS)

    @functools.partial(
        pl.kernel,
        mesh=mesh,
        out_type=(jax.ShapeDtypeStruct((n_edges, WPAD), jnp.float32),
                  jax.ShapeDtypeStruct((n_edges, WPAD), jnp.float32)),
        compiler_params=pltpu.CompilerParams(use_tc_tiling_on_sc=False),
        scratch_types=[
            pltpu.VMEM((CH,), jnp.int32),
            pltpu.VMEM((CH,), jnp.int32),
            pltpu.VMEM((CH, WPAD), jnp.float32),
            pltpu.VMEM((CH, WPAD), jnp.float32),
            pltpu.SemaphoreType.DMA,
            pltpu.SemaphoreType.DMA,
        ],
    )
    def gather_k(pa_hbm, qa_hbm, row_hbm, col_hbm, ga_hbm, gb_hbm,
                 ridx_v, cidx_v, bufa, bufb, sema, semb):
        w = lax.axis_index("s") * NC + lax.axis_index("c")
        ntrips = nch // NW + jnp.where(w < (nch % NW), 1, 0)

        def body(i, carry):
            c = w + i * NW
            pltpu.sync_copy(row_hbm.at[c], ridx_v)
            pltpu.sync_copy(col_hbm.at[c], cidx_v)
            da = pltpu.async_copy(pa_hbm.at[cidx_v], bufa, sema)
            db = pltpu.async_copy(qa_hbm.at[ridx_v], bufb, semb)
            da.wait()
            db.wait()
            pltpu.sync_copy(bufa, ga_hbm.at[pl.ds(c * CH, CH)])
            pltpu.sync_copy(bufb, gb_hbm.at[pl.ds(c * CH, CH)])
            return carry

        lax.fori_loop(0, ntrips, body, 0)

    return gather_k


def _make_scatter_kernel(n_nodes, n_edges):
    nch = n_edges // CH
    rows_per = (n_nodes // NS) // 16 * 16
    mesh = plsc.VectorSubcoreMesh(core_axis_name="c", subcore_axis_name="s",
                                  num_cores=NC, num_subcores=NS)

    @functools.partial(
        pl.kernel,
        mesh=mesh,
        out_type=jax.ShapeDtypeStruct((NC, n_nodes, WPAD), jnp.float32),
        compiler_params=pltpu.CompilerParams(use_tc_tiling_on_sc=False),
        scratch_types=[
            pltpu.VMEM((CH, WPAD), jnp.float32),
            pltpu.VMEM((1, CH), jnp.int32),
            pltpu.VMEM_SHARED((n_nodes, WPAD), jnp.float32),
        ],
    )
    def scatter_k(mc_hbm, col3_hbm, zrows_hbm, out_hbm, mbuf, cidx, acc_sh):
        c = lax.axis_index("c")
        s = lax.axis_index("s")
        w = s * NC + c
        r0 = s * rows_per
        span = jnp.where(s == NS - 1, n_nodes - (NS - 1) * rows_per, rows_per)
        nz = span // 16

        def zbody(j, carry):
            base = r0 + j * 16
            pltpu.sync_copy(zrows_hbm, acc_sh.at[pl.ds(base, 16)])
            return carry

        lax.fori_loop(0, nz, zbody, 0)
        plsc.subcore_barrier()

        ntrips = nch // NW + jnp.where(w < (nch % NW), 1, 0)

        def body(i, carry):
            ck = w + i * NW
            pltpu.sync_copy(col3_hbm.at[ck], cidx)
            pltpu.sync_copy(mc_hbm.at[pl.ds(ck * CH, CH)], mbuf)
            pltpu.sync_copy(mbuf, acc_sh.at[cidx.at[0]], add=True)
            return carry

        lax.fori_loop(0, ntrips, body, 0)
        plsc.subcore_barrier()

        def obody(j, carry):
            base = r0 + j * 16
            pltpu.sync_copy(acc_sh.at[pl.ds(base, 16)],
                            out_hbm.at[c, pl.ds(base, 16)])
            return carry

        lax.fori_loop(0, nz, obody, 0)

    return scatter_k


def kernel(h, pos, edge_index, edge_attr, W_msg1, b_msg1, W_msg2, b_msg2,
           W_c1, b_c1, W_c2, W_n1, b_n1, W_n2, b_n2, gamma, beta):
    n, _ = h.shape
    e = edge_index.shape[1]
    ed = edge_attr.shape[1]
    nch = e // CH
    f32 = jnp.float32

    row = edge_index[0]
    col = edge_index[1]
    row2 = row.reshape(nch, CH)
    col2 = col.reshape(nch, CH)
    col3 = col.reshape(nch, 1, CH)
    pos16 = jnp.pad(pos, ((0, 0), (0, 16 - pos.shape[1])))
    w1a = W_msg1[:H]
    w1b = W_msg1[H:2 * H]
    wd = W_msg1[2 * H:2 * H + 1]
    w1e = W_msg1[2 * H + 1:]
    wc2p = jnp.pad(W_c2, ((0, 0), (0, 7)))
    wn1a = W_n1[:H]
    wn1b = W_n1[H:]
    b1r = b_msg1.reshape(1, H)
    b2r = b_msg2.reshape(1, H)
    bc1r = b_c1.reshape(1, H)
    bn1r = b_n1.reshape(1, H)
    bn2r = b_n2.reshape(1, H)
    gamr = gamma.reshape(1, H)
    betr = beta.reshape(1, H)
    zrows = jnp.zeros((16, WPAD), f32)

    bn = 1000
    full = lambda shp: pl.BlockSpec(shp, lambda i: (0, 0))
    pa, qa = pl.pallas_call(
        _prep_body,
        grid=(n // bn,),
        in_specs=[
            pl.BlockSpec((bn, H), lambda i: (i, 0)),
            pl.BlockSpec((bn, 16), lambda i: (i, 0)),
            full((H, H)),
            full((H, H)),
        ],
        out_specs=[
            pl.BlockSpec((bn, WPAD), lambda i: (i, 0)),
            pl.BlockSpec((bn, WPAD), lambda i: (i, 0)),
        ],
        out_shape=[
            jax.ShapeDtypeStruct((n, WPAD), f32),
            jax.ShapeDtypeStruct((n, WPAD), f32),
        ],
    )(h, pos16, w1a, w1b)

    ga, gb = _make_gather_kernel(n, e)(pa, qa, row2, col2)

    te = 2000
    mc = pl.pallas_call(
        _edge_body,
        grid=(e // te,),
        in_specs=[
            pl.BlockSpec((te, WPAD), lambda i: (i, 0)),
            pl.BlockSpec((te, WPAD), lambda i: (i, 0)),
            pl.BlockSpec((te, ed), lambda i: (i, 0)),
            full((ed, H)),
            full((1, H)),
            full((1, H)),
            full((H, H)),
            full((1, H)),
            full((H, H)),
            full((1, H)),
            full((H, 8)),
        ],
        out_specs=pl.BlockSpec((te, WPAD), lambda i: (i, 0)),
        out_shape=jax.ShapeDtypeStruct((e, WPAD), f32),
    )(ga, gb, edge_attr, w1e, wd, b1r, W_msg2, b2r, W_c1, bc1r, wc2p)

    hg = _make_scatter_kernel(n, e)(mc, col3, zrows)
    hg0 = hg[0]
    hg1 = hg[1]

    h_out, po16 = pl.pallas_call(
        _node_body,
        grid=(n // bn,),
        in_specs=[
            pl.BlockSpec((bn, H), lambda i: (i, 0)),
            pl.BlockSpec((bn, 16), lambda i: (i, 0)),
            pl.BlockSpec((bn, WPAD), lambda i: (i, 0)),
            pl.BlockSpec((bn, WPAD), lambda i: (i, 0)),
            full((H, H)),
            full((H, H)),
            full((1, H)),
            full((H, H)),
            full((1, H)),
            full((1, H)),
            full((1, H)),
        ],
        out_specs=[
            pl.BlockSpec((bn, H), lambda i: (i, 0)),
            pl.BlockSpec((bn, 16), lambda i: (i, 0)),
        ],
        out_shape=[
            jax.ShapeDtypeStruct((n, H), f32),
            jax.ShapeDtypeStruct((n, 16), f32),
        ],
    )(h, pos16, hg0, hg1, wn1a, wn1b, bn1r, W_n2, bn2r, gamr, betr)

    return (h_out, po16[:, :3])

# --- scband reference (transcript-rebuilt; emitter-appended) ---
"""Pipeline reference for scband-protein-binding-gnn-3238405342012 (READ-ONLY COPY).

The authoritative reference and input builder live on the scoring server;
editing this copy changes nothing except your own understanding.
"""

import jax, jax.numpy as jnp
import numpy as np

N = 10000
E = 320000
H = 128
ED = 16

def silu(x):
    return x * jax.nn.sigmoid(x)

def setup_inputs(seed: int = 0) -> dict:
    key = jax.random.key(seed)
    ks = jax.random.split(key, 20)
    h = jax.random.normal(ks[0], (N, H), dtype=jnp.float32)
    pos = jax.random.normal(ks[1], (N, 3), dtype=jnp.float32)
    edge_index = jax.random.randint(ks[2], (2, E), 0, N, dtype=jnp.int32)
    edge_attr = jax.random.normal(ks[3], (E, ED), dtype=jnp.float32)
    s = 0.05
    W_msg1 = jax.random.normal(ks[4], (2 * H + 1 + ED, H), dtype=jnp.float32) * s
    b_msg1 = jnp.zeros((H,), dtype=jnp.float32)
    W_msg2 = jax.random.normal(ks[5], (H, H), dtype=jnp.float32) * s
    b_msg2 = jnp.zeros((H,), dtype=jnp.float32)
    W_c1 = jax.random.normal(ks[6], (H, H), dtype=jnp.float32) * s
    b_c1 = jnp.zeros((H,), dtype=jnp.float32)
    W_c2 = jax.random.normal(ks[7], (H, 1), dtype=jnp.float32) * s
    W_n1 = jax.random.normal(ks[8], (2 * H, H), dtype=jnp.float32) * s
    b_n1 = jnp.zeros((H,), dtype=jnp.float32)
    W_n2 = jax.random.normal(ks[9], (H, H), dtype=jnp.float32) * s
    b_n2 = jnp.zeros((H,), dtype=jnp.float32)
    gamma = jnp.ones((H,), dtype=jnp.float32)
    beta = jnp.zeros((H,), dtype=jnp.float32)
    return {"h": h, "pos": pos, "edge_index": edge_index, "edge_attr": edge_attr,
            "W_msg1": W_msg1, "b_msg1": b_msg1, "W_msg2": W_msg2, "b_msg2": b_msg2,
            "W_c1": W_c1, "b_c1": b_c1, "W_c2": W_c2,
            "W_n1": W_n1, "b_n1": b_n1, "W_n2": W_n2, "b_n2": b_n2,
            "gamma": gamma, "beta": beta}

def reference(h, pos, edge_index, edge_attr, W_msg1, b_msg1, W_msg2, b_msg2,
              W_c1, b_c1, W_c2, W_n1, b_n1, W_n2, b_n2, gamma, beta):
    row = edge_index[0]  # source (j)
    col = edge_index[1]  # target (i); PyG aggregates messages at edge_index[1]
    rel_pos = pos[row] - pos[col]
    dist = jnp.clip(jnp.linalg.norm(rel_pos, axis=-1, keepdims=True), 1e-6, None)
    h_i = h[col]
    h_j = h[row]
    inp = jnp.concatenate([h_i, h_j, dist, edge_attr], axis=-1)
    m = silu(inp @ W_msg1 + b_msg1)
    m = silu(m @ W_msg2 + b_msg2)
    coord_weight = silu(m @ W_c1 + b_c1) @ W_c2  # (E, 1), no bias on last layer
    coord_msg = rel_pos * coord_weight
    h_agg = jax.ops.segment_sum(m, col, num_segments=N)
    coord_agg = jax.ops.segment_sum(coord_msg, col, num_segments=N)
    h_new = silu(jnp.concatenate([h, h_agg], axis=-1) @ W_n1 + b_n1) @ W_n2 + b_n2
    h_out = h + h_new  # dropout p=0.0 -> identity
    mu = jnp.mean(h_out, axis=-1, keepdims=True)
    var = jnp.var(h_out, axis=-1, keepdims=True)
    h_out = (h_out - mu) / jnp.sqrt(var + 1e-5) * gamma + beta
    pos_out = pos + coord_agg
    return (h_out, pos_out)

if __name__ == "__main__":
    import jax
    _d = setup_inputs()
    print(jax.jit(kernel)(*tuple(_d.values())))

</pallas_src>

<mosaic_0001>
#map = affine_map<(d0, d1) -> (0, 0)>
module attributes {stable_mosaic.version = 14 : i64} {
  func.func @gather_k(%arg0: i32, %arg1: i32, %arg2: memref<10000x144xf32, #tpu.memory_space<hbm>>, %arg3: memref<10000x144xf32, #tpu.memory_space<hbm>>, %arg4: memref<2500x128xi32, #tpu.memory_space<hbm>>, %arg5: memref<2500x128xi32, #tpu.memory_space<hbm>>, %arg6: memref<320000x144xf32, #tpu.memory_space<hbm>>, %arg7: memref<320000x144xf32, #tpu.memory_space<hbm>>, %arg8: memref<128xi32, #tpu.memory_space<vmem>>, %arg9: memref<128xi32, #tpu.memory_space<vmem>>, %arg10: memref<128x144xf32, #tpu.memory_space<vmem>>, %arg11: memref<128x144xf32, #tpu.memory_space<vmem>>, %arg12: memref<!tpu.dma_semaphore, #tpu.memory_space<semaphore_mem>>, %arg13: memref<!tpu.dma_semaphore, #tpu.memory_space<semaphore_mem>>) attributes {dimension_semantics = [#tpu.dimension_semantics<core_parallel>, #tpu.dimension_semantics<subcore_parallel>], iteration_bounds = array<i64: 2, 16>, scalar_prefetch = 0 : i64, scratch_operands = 6 : i64, tpu.core_type = #tpu.core_type<sc_vector_subcore>, window_params = [{transform_indices = #map}, {transform_indices = #map}, {transform_indices = #map}, {transform_indices = #map}, {transform_indices = #map}, {transform_indices = #map}]} {
    %mul3A = arith.constant 2 : i32
    %mul3A_0 = arith.muli %arg1, %mul3A : i32
    %add3A = arith.addi %mul3A_0, %arg0 : i32
    %lt3A = arith.constant 4 : i32
    %lt3A_1 = arith.cmpi slt, %add3A, %lt3A : i32
    %jit3A = arith.constant 1 : i32
    %jit3A_2 = arith.constant 0 : i32
    %select_n3A = arith.select %lt3A_1, %jit3A, %jit3A_2 : i32
    %add3A_3 = arith.constant 78 : i32
    %add3A_4 = arith.addi %add3A_3, %select_n3A : i32
    %while3A = arith.constant 0 : i32
    %while3A_5 = arith.constant 0 : i32
    %while3A_6 = arith.subi %add3A_4, %while3A_5 : i32
    %while3A_7 = arith.addi %while3A_5, %while3A_6 : i32
    %while3A_8 = arith.constant 1 : i32
    %while3A_9 = arith.divsi %while3A_6, %while3A_8 : i32
    %while3A_10 = arith.muli %while3A_9, %while3A_8 : i32
    %while3A_11 = arith.addi %while3A_5, %while3A_10 : i32
    %while3A_12 = arith.constant 1 : i32
    scf.for %while3A_14 = %while3A_5 to %while3A_11 step %while3A_12  : i32 {
      %mul3A_15 = arith.constant 32 : i32
      %mul3A_16 = arith.muli %while3A_14, %mul3A_15 : i32
      %add3A_17 = arith.addi %add3A, %mul3A_16 : i32
      "tpu.region"() ({
        %run_scoped3A = tpu.sem_alloc : memref<!tpu.dma_semaphore, #tpu.memory_space<semaphore_mem>>
        %dma_start3A_32 = arith.constant 0 : i32
        %dma_start3A_33 = tpu.memref_slice %arg4[%add3A_17, %dma_start3A_32] : memref<2500x128xi32, #tpu.memory_space<hbm>> -> memref<1x128xi32, #tpu.memory_space<hbm>>
        %dma_start3A_34 = tpu.memref_squeeze %dma_start3A_33 : memref<1x128xi32, #tpu.memory_space<hbm>> -> memref<128xi32, #tpu.memory_space<hbm>>
        %dma_start3A_35 = arith.constant 0 : i32
        %dma_start3A_36 = tpu.memref_slice %arg4[%add3A_17, %dma_start3A_35] : memref<2500x128xi32, #tpu.memory_space<hbm>> -> memref<1x128xi32, #tpu.memory_space<hbm>>
        %dma_start3A_37 = tpu.memref_squeeze %dma_start3A_36 : memref<1x128xi32, #tpu.memory_space<hbm>> -> memref<128xi32, #tpu.memory_space<hbm>>
        tpu.enqueue_dma source(%dma_start3A_37 : memref<128xi32, #tpu.memory_space<hbm>>) target(%arg8 : memref<128xi32, #tpu.memory_space<vmem>>) target_semaphore(%run_scoped3A : memref<!tpu.dma_semaphore, #tpu.memory_space<semaphore_mem>>)
        %dma_wait3A_38 = arith.constant 0 : i32
        %dma_wait3A_39 = tpu.memref_slice %arg4[%add3A_17, %dma_wait3A_38] : memref<2500x128xi32, #tpu.memory_space<hbm>> -> memref<1x128xi32, #tpu.memory_space<hbm>>
        %dma_wait3A_40 = tpu.memref_squeeze %dma_wait3A_39 : memref<1x128xi32, #tpu.memory_space<hbm>> -> memref<128xi32, #tpu.memory_space<hbm>>
        %dma_wait3A_41 = arith.constant 0 : i32
        %dma_wait3A_42 = tpu.memref_slice %arg4[%add3A_17, %dma_wait3A_41] : memref<2500x128xi32, #tpu.memory_space<hbm>> -> memref<1x128xi32, #tpu.memory_space<hbm>>
        %dma_wait3A_43 = tpu.memref_squeeze %dma_wait3A_42 : memref<1x128xi32, #tpu.memory_space<hbm>> -> memref<128xi32, #tpu.memory_space<hbm>>
        tpu.wait_dma2 semaphore(%run_scoped3A : memref<!tpu.dma_semaphore, #tpu.memory_space<semaphore_mem>>) src(%dma_wait3A_43 : memref<128xi32, #tpu.memory_space<hbm>>) dst(%arg8 : memref<128xi32, #tpu.memory_space<vmem>>)
        tpu.yield
      }) : () -> ()
      "tpu.region"() ({
        %run_scoped3A = tpu.sem_alloc : memref<!tpu.dma_semaphore, #tpu.memory_space<semaphore_mem>>
        %dma_start3A_32 = arith.constant 0 : i32
        %dma_start3A_33 = tpu.memref_slice %arg5[%add3A_17, %dma_start3A_32] : memref<2500x128xi32, #tpu.memory_space<hbm>> -> memref<1x128xi32, #tpu.memory_space<hbm>>
        %dma_start3A_34 = tpu.memref_squeeze %dma_start3A_33 : memref<1x128xi32, #tpu.memory_space<hbm>> -> memref<128xi32, #tpu.memory_space<hbm>>
        %dma_start3A_35 = arith.constant 0 : i32
        %dma_start3A_36 = tpu.memref_slice %arg5[%add3A_17, %dma_start3A_35] : memref<2500x128xi32, #tpu.memory_space<hbm>> -> memref<1x128xi32, #tpu.memory_space<hbm>>
        %dma_start3A_37 = tpu.memref_squeeze %dma_start3A_36 : memref<1x128xi32, #tpu.memory_space<hbm>> -> memref<128xi32, #tpu.memory_space<hbm>>
        tpu.enqueue_dma source(%dma_start3A_37 : memref<128xi32, #tpu.memory_space<hbm>>) target(%arg9 : memref<128xi32, #tpu.memory_space<vmem>>) target_semaphore(%run_scoped3A : memref<!tpu.dma_semaphore, #tpu.memory_space<semaphore_mem>>)
        %dma_wait3A_38 = arith.constant 0 : i32
        %dma_wait3A_39 = tpu.memref_slice %arg5[%add3A_17, %dma_wait3A_38] : memref<2500x128xi32, #tpu.memory_space<hbm>> -> memref<1x128xi32, #tpu.memory_space<hbm>>
        %dma_wait3A_40 = tpu.memref_squeeze %dma_wait3A_39 : memref<1x128xi32, #tpu.memory_space<hbm>> -> memref<128xi32, #tpu.memory_space<hbm>>
        %dma_wait3A_41 = arith.constant 0 : i32
        %dma_wait3A_42 = tpu.memref_slice %arg5[%add3A_17, %dma_wait3A_41] : memref<2500x128xi32, #tpu.memory_space<hbm>> -> memref<1x128xi32, #tpu.memory_space<hbm>>
        %dma_wait3A_43 = tpu.memref_squeeze %dma_wait3A_42 : memref<1x128xi32, #tpu.memory_space<hbm>> -> memref<128xi32, #tpu.memory_space<hbm>>
        tpu.wait_dma2 semaphore(%run_scoped3A : memref<!tpu.dma_semaphore, #tpu.memory_space<semaphore_mem>>) src(%dma_wait3A_43 : memref<128xi32, #tpu.memory_space<hbm>>) dst(%arg9 : memref<128xi32, #tpu.memory_space<vmem>>)
        tpu.yield
      }) : () -> ()
      %dma_start3A = arith.constant 0 : i32
      %dma_start3A_18 = arith.constant 0 : i32
      %dma_start3A_19 = tpu.memref_slice %arg2[%dma_start3A, %dma_start3A_18] : memref<10000x144xf32, #tpu.memory_space<hbm>> -> memref<10000x144xf32, #tpu.memory_space<hbm>>
      tpu.enqueue_indirect_dma source(%dma_start3A_19 : memref<10000x144xf32, #tpu.memory_space<hbm>>) target(%arg10 : memref<128x144xf32, #tpu.memory_space<vmem>>) offsets(%arg9 : memref<128xi32, #tpu.memory_space<vmem>>) semaphore(%arg12 : memref<!tpu.dma_semaphore, #tpu.memory_space<semaphore_mem>>)
      %dma_start3A_20 = arith.constant 0 : i32
      %dma_start3A_21 = arith.constant 0 : i32
      %dma_start3A_22 = tpu.memref_slice %arg3[%dma_start3A_20, %dma_start3A_21] : memref<10000x144xf32, #tpu.memory_space<hbm>> -> memref<10000x144xf32, #tpu.memory_space<hbm>>
      tpu.enqueue_indirect_dma source(%dma_start3A_22 : memref<10000x144xf32, #tpu.memory_space<hbm>>) target(%arg11 : memref<128x144xf32, #tpu.memory_space<vmem>>) offsets(%arg8 : memref<128xi32, #tpu.memory_space<vmem>>) semaphore(%arg13 : memref<!tpu.dma_semaphore, #tpu.memory_space<semaphore_mem>>)
      %dma_wait3A = arith.constant 0 : i32
      %dma_wait3A_23 = arith.constant 0 : i32
      %dma_wait3A_24 = tpu.memref_slice %arg2[%dma_wait3A, %dma_wait3A_23] : memref<10000x144xf32, #tpu.memory_space<hbm>> -> memref<10000x144xf32, #tpu.memory_space<hbm>>
      tpu.wait_indirect_dma semaphore(%arg12 : memref<!tpu.dma_semaphore, #tpu.memory_space<semaphore_mem>>) src(%dma_wait3A_24 : memref<10000x144xf32, #tpu.memory_space<hbm>>) dst(%arg10 : memref<128x144xf32, #tpu.memory_space<vmem>>)
      %dma_wait3A_25 = arith.constant 0 : i32
      %dma_wait3A_26 = arith.constant 0 : i32
      %dma_wait3A_27 = tpu.memref_slice %arg3[%dma_wait3A_25, %dma_wait3A_26] : memref<10000x144xf32, #tpu.memory_space<hbm>> -> memref<10000x144xf32, #tpu.memory_space<hbm>>
      tpu.wait_indirect_dma semaphore(%arg13 : memref<!tpu.dma_semaphore, #tpu.memory_space<semaphore_mem>>) src(%dma_wait3A_27 : memref<10000x144xf32, #tpu.memory_space<hbm>>) dst(%arg11 : memref<128x144xf32, #tpu.memory_space<vmem>>)
      %mul3A_28 = arith.constant 128 : i32
      %mul3A_29 = arith.muli %add3A_17, %mul3A_28 : i32
      "tpu.region"() ({
        %run_scoped3A = tpu.sem_alloc : memref<!tpu.dma_semaphore, #tpu.memory_space<semaphore_mem>>
        %dma_start3A_32 = arith.constant 0 : i32
        %dma_start3A_33 = tpu.memref_slice %arg6[%mul3A_29, %dma_start3A_32] : memref<320000x144xf32, #tpu.memory_space<hbm>> -> memref<128x144xf32, #tpu.memory_space<hbm>>
        %dma_start3A_34 = arith.constant 0 : i32
        %dma_start3A_35 = tpu.memref_slice %arg6[%mul3A_29, %dma_start3A_34] : memref<320000x144xf32, #tpu.memory_space<hbm>> -> memref<128x144xf32, #tpu.memory_space<hbm>>
        tpu.enqueue_dma source(%arg10 : memref<128x144xf32, #tpu.memory_space<vmem>>) target(%dma_start3A_35 : memref<128x144xf32, #tpu.memory_space<hbm>>) target_semaphore(%run_scoped3A : memref<!tpu.dma_semaphore, #tpu.memory_space<semaphore_mem>>)
        %dma_wait3A_36 = arith.constant 0 : i32
        %dma_wait3A_37 = tpu.memref_slice %arg6[%mul3A_29, %dma_wait3A_36] : memref<320000x144xf32, #tpu.memory_space<hbm>> -> memref<128x144xf32, #tpu.memory_space<hbm>>
        %dma_wait3A_38 = arith.constant 0 : i32
        %dma_wait3A_39 = tpu.memref_slice %arg6[%mul3A_29, %dma_wait3A_38] : memref<320000x144xf32, #tpu.memory_space<hbm>> -> memref<128x144xf32, #tpu.memory_space<hbm>>
        tpu.wait_dma2 semaphore(%run_scoped3A : memref<!tpu.dma_semaphore, #tpu.memory_space<semaphore_mem>>) src(%arg10 : memref<128x144xf32, #tpu.memory_space<vmem>>) dst(%dma_wait3A_39 : memref<128x144xf32, #tpu.memory_space<hbm>>)
        tpu.yield
      }) : () -> ()
      %mul3A_30 = arith.constant 128 : i32
      %mul3A_31 = arith.muli %add3A_17, %mul3A_30 : i32
      "tpu.region"() ({
        %run_scoped3A = tpu.sem_alloc : memref<!tpu.dma_semaphore, #tpu.memory_space<semaphore_mem>>
        %dma_start3A_32 = arith.constant 0 : i32
        %dma_start3A_33 = tpu.memref_slice %arg7[%mul3A_31, %dma_start3A_32] : memref<320000x144xf32, #tpu.memory_space<hbm>> -> memref<128x144xf32, #tpu.memory_space<hbm>>
        %dma_start3A_34 = arith.constant 0 : i32
        %dma_start3A_35 = tpu.memref_slice %arg7[%mul3A_31, %dma_start3A_34] : memref<320000x144xf32, #tpu.memory_space<hbm>> -> memref<128x144xf32, #tpu.memory_space<hbm>>
        tpu.enqueue_dma source(%arg11 : memref<128x144xf32, #tpu.memory_space<vmem>>) target(%dma_start3A_35 : memref<128x144xf32, #tpu.memory_space<hbm>>) target_semaphore(%run_scoped3A : memref<!tpu.dma_semaphore, #tpu.memory_space<semaphore_mem>>)
        %dma_wait3A_36 = arith.constant 0 : i32
        %dma_wait3A_37 = tpu.memref_slice %arg7[%mul3A_31, %dma_wait3A_36] : memref<320000x144xf32, #tpu.memory_space<hbm>> -> memref<128x144xf32, #tpu.memory_space<hbm>>
        %dma_wait3A_38 = arith.constant 0 : i32
        %dma_wait3A_39 = tpu.memref_slice %arg7[%mul3A_31, %dma_wait3A_38] : memref<320000x144xf32, #tpu.memory_space<hbm>> -> memref<128x144xf32, #tpu.memory_space<hbm>>
        tpu.wait_dma2 semaphore(%run_scoped3A : memref<!tpu.dma_semaphore, #tpu.memory_space<semaphore_mem>>) src(%arg11 : memref<128x144xf32, #tpu.memory_space<vmem>>) dst(%dma_wait3A_39 : memref<128x144xf32, #tpu.memory_space<hbm>>)
        tpu.yield
      }) : () -> ()
    }
    %while3A_13 = arith.constant 1 : i32
    scf.for %while3A_14 = %while3A_11 to %while3A_7 step %while3A_13  : i32 {
      %mul3A_15 = arith.constant 32 : i32
      %mul3A_16 = arith.muli %while3A_14, %mul3A_15 : i32
      %add3A_17 = arith.addi %add3A, %mul3A_16 : i32
      "tpu.region"() ({
        %run_scoped3A = tpu.sem_alloc : memref<!tpu.dma_semaphore, #tpu.memory_space<semaphore_mem>>
        %dma_start3A_32 = arith.constant 0 : i32
        %dma_start3A_33 = tpu.memref_slice %arg4[%add3A_17, %dma_start3A_32] : memref<2500x128xi32, #tpu.memory_space<hbm>> -> memref<1x128xi32, #tpu.memory_space<hbm>>
        %dma_start3A_34 = tpu.memref_squeeze %dma_start3A_33 : memref<1x128xi32, #tpu.memory_space<hbm>> -> memref<128xi32, #tpu.memory_space<hbm>>
        %dma_start3A_35 = arith.constant 0 : i32
        %dma_start3A_36 = tpu.memref_slice %arg4[%add3A_17, %dma_start3A_35] : memref<2500x128xi32, #tpu.memory_space<hbm>> -> memref<1x128xi32, #tpu.memory_space<hbm>>
        %dma_start3A_37 = tpu.memref_squeeze %dma_start3A_36 : memref<1x128xi32, #tpu.memory_space<hbm>> -> memref<128xi32, #tpu.memory_space<hbm>>
        tpu.enqueue_dma source(%dma_start3A_37 : memref<128xi32, #tpu.memory_space<hbm>>) target(%arg8 : memref<128xi32, #tpu.memory_space<vmem>>) target_semaphore(%run_scoped3A : memref<!tpu.dma_semaphore, #tpu.memory_space<semaphore_mem>>)
        %dma_wait3A_38 = arith.constant 0 : i32
        %dma_wait3A_39 = tpu.memref_slice %arg4[%add3A_17, %dma_wait3A_38] : memref<2500x128xi32, #tpu.memory_space<hbm>> -> memref<1x128xi32, #tpu.memory_space<hbm>>
        %dma_wait3A_40 = tpu.memref_squeeze %dma_wait3A_39 : memref<1x128xi32, #tpu.memory_space<hbm>> -> memref<128xi32, #tpu.memory_space<hbm>>
        %dma_wait3A_41 = arith.constant 0 : i32
        %dma_wait3A_42 = tpu.memref_slice %arg4[%add3A_17, %dma_wait3A_41] : memref<2500x128xi32, #tpu.memory_space<hbm>> -> memref<1x128xi32, #tpu.memory_space<hbm>>
        %dma_wait3A_43 = tpu.memref_squeeze %dma_wait3A_42 : memref<1x128xi32, #tpu.memory_space<hbm>> -> memref<128xi32, #tpu.memory_space<hbm>>
        tpu.wait_dma2 semaphore(%run_scoped3A : memref<!tpu.dma_semaphore, #tpu.memory_space<semaphore_mem>>) src(%dma_wait3A_43 : memref<128xi32, #tpu.memory_space<hbm>>) dst(%arg8 : memref<128xi32, #tpu.memory_space<vmem>>)
        tpu.yield
      }) : () -> ()
      "tpu.region"() ({
        %run_scoped3A = tpu.sem_alloc : memref<!tpu.dma_semaphore, #tpu.memory_space<semaphore_mem>>
        %dma_start3A_32 = arith.constant 0 : i32
        %dma_start3A_33 = tpu.memref_slice %arg5[%add3A_17, %dma_start3A_32] : memref<2500x128xi32, #tpu.memory_space<hbm>> -> memref<1x128xi32, #tpu.memory_space<hbm>>
        %dma_start3A_34 = tpu.memref_squeeze %dma_start3A_33 : memref<1x128xi32, #tpu.memory_space<hbm>> -> memref<128xi32, #tpu.memory_space<hbm>>
        %dma_start3A_35 = arith.constant 0 : i32
        %dma_start3A_36 = tpu.memref_slice %arg5[%add3A_17, %dma_start3A_35] : memref<2500x128xi32, #tpu.memory_space<hbm>> -> memref<1x128xi32, #tpu.memory_space<hbm>>
        %dma_start3A_37 = tpu.memref_squeeze %dma_start3A_36 : memref<1x128xi32, #tpu.memory_space<hbm>> -> memref<128xi32, #tpu.memory_space<hbm>>
        tpu.enqueue_dma source(%dma_start3A_37 : memref<128xi32, #tpu.memory_space<hbm>>) target(%arg9 : memref<128xi32, #tpu.memory_space<vmem>>) target_semaphore(%run_scoped3A : memref<!tpu.dma_semaphore, #tpu.memory_space<semaphore_mem>>)
        %dma_wait3A_38 = arith.constant 0 : i32
        %dma_wait3A_39 = tpu.memref_slice %arg5[%add3A_17, %dma_wait3A_38] : memref<2500x128xi32, #tpu.memory_space<hbm>> -> memref<1x128xi32, #tpu.memory_space<hbm>>
        %dma_wait3A_40 = tpu.memref_squeeze %dma_wait3A_39 : memref<1x128xi32, #tpu.memory_space<hbm>> -> memref<128xi32, #tpu.memory_space<hbm>>
        %dma_wait3A_41 = arith.constant 0 : i32
        %dma_wait3A_42 = tpu.memref_slice %arg5[%add3A_17, %dma_wait3A_41] : memref<2500x128xi32, #tpu.memory_space<hbm>> -> memref<1x128xi32, #tpu.memory_space<hbm>>
        %dma_wait3A_43 = tpu.memref_squeeze %dma_wait3A_42 : memref<1x128xi32, #tpu.memory_space<hbm>> -> memref<128xi32, #tpu.memory_space<hbm>>
        tpu.wait_dma2 semaphore(%run_scoped3A : memref<!tpu.dma_semaphore, #tpu.memory_space<semaphore_mem>>) src(%dma_wait3A_43 : memref<128xi32, #tpu.memory_space<hbm>>) dst(%arg9 : memref<128xi32, #tpu.memory_space<vmem>>)
        tpu.yield
      }) : () -> ()
      %dma_start3A = arith.constant 0 : i32
      %dma_start3A_18 = arith.constant 0 : i32
      %dma_start3A_19 = tpu.memref_slice %arg2[%dma_start3A, %dma_start3A_18] : memref<10000x144xf32, #tpu.memory_space<hbm>> -> memref<10000x144xf32, #tpu.memory_space<hbm>>
      tpu.enqueue_indirect_dma source(%dma_start3A_19 : memref<10000x144xf32, #tpu.memory_space<hbm>>) target(%arg10 : memref<128x144xf32, #tpu.memory_space<vmem>>) offsets(%arg9 : memref<128xi32, #tpu.memory_space<vmem>>) semaphore(%arg12 : memref<!tpu.dma_semaphore, #tpu.memory_space<semaphore_mem>>)
      %dma_start3A_20 = arith.constant 0 : i32
      %dma_start3A_21 = arith.constant 0 : i32
      %dma_start3A_22 = tpu.memref_slice %arg3[%dma_start3A_20, %dma_start3A_21] : memref<10000x144xf32, #tpu.memory_space<hbm>> -> memref<10000x144xf32, #tpu.memory_space<hbm>>
      tpu.enqueue_indirect_dma source(%dma_start3A_22 : memref<10000x144xf32, #tpu.memory_space<hbm>>) target(%arg11 : memref<128x144xf32, #tpu.memory_space<vmem>>) offsets(%arg8 : memref<128xi32, #tpu.memory_space<vmem>>) semaphore(%arg13 : memref<!tpu.dma_semaphore, #tpu.memory_space<semaphore_mem>>)
      %dma_wait3A = arith.constant 0 : i32
      %dma_wait3A_23 = arith.constant 0 : i32
      %dma_wait3A_24 = tpu.memref_slice %arg2[%dma_wait3A, %dma_wait3A_23] : memref<10000x144xf32, #tpu.memory_space<hbm>> -> memref<10000x144xf32, #tpu.memory_space<hbm>>
      tpu.wait_indirect_dma semaphore(%arg12 : memref<!tpu.dma_semaphore, #tpu.memory_space<semaphore_mem>>) src(%dma_wait3A_24 : memref<10000x144xf32, #tpu.memory_space<hbm>>) dst(%arg10 : memref<128x144xf32, #tpu.memory_space<vmem>>)
      %dma_wait3A_25 = arith.constant 0 : i32
      %dma_wait3A_26 = arith.constant 0 : i32
      %dma_wait3A_27 = tpu.memref_slice %arg3[%dma_wait3A_25, %dma_wait3A_26] : memref<10000x144xf32, #tpu.memory_space<hbm>> -> memref<10000x144xf32, #tpu.memory_space<hbm>>
      tpu.wait_indirect_dma semaphore(%arg13 : memref<!tpu.dma_semaphore, #tpu.memory_space<semaphore_mem>>) src(%dma_wait3A_27 : memref<10000x144xf32, #tpu.memory_space<hbm>>) dst(%arg11 : memref<128x144xf32, #tpu.memory_space<vmem>>)
      %mul3A_28 = arith.constant 128 : i32
      %mul3A_29 = arith.muli %add3A_17, %mul3A_28 : i32
      "tpu.region"() ({
        %run_scoped3A = tpu.sem_alloc : memref<!tpu.dma_semaphore, #tpu.memory_space<semaphore_mem>>
        %dma_start3A_32 = arith.constant 0 : i32
        %dma_start3A_33 = tpu.memref_slice %arg6[%mul3A_29, %dma_start3A_32] : memref<320000x144xf32, #tpu.memory_space<hbm>> -> memref<128x144xf32, #tpu.memory_space<hbm>>
        %dma_start3A_34 = arith.constant 0 : i32
        %dma_start3A_35 = tpu.memref_slice %arg6[%mul3A_29, %dma_start3A_34] : memref<320000x144xf32, #tpu.memory_space<hbm>> -> memref<128x144xf32, #tpu.memory_space<hbm>>
        tpu.enqueue_dma source(%arg10 : memref<128x144xf32, #tpu.memory_space<vmem>>) target(%dma_start3A_35 : memref<128x144xf32, #tpu.memory_space<hbm>>) target_semaphore(%run_scoped3A : memref<!tpu.dma_semaphore, #tpu.memory_space<semaphore_mem>>)
        %dma_wait3A_36 = arith.constant 0 : i32
        %dma_wait3A_37 = tpu.memref_slice %arg6[%mul3A_29, %dma_wait3A_36] : memref<320000x144xf32, #tpu.memory_space<hbm>> -> memref<128x144xf32, #tpu.memory_space<hbm>>
        %dma_wait3A_38 = arith.constant 0 : i32
        %dma_wait3A_39 = tpu.memref_slice %arg6[%mul3A_29, %dma_wait3A_38] : memref<320000x144xf32, #tpu.memory_space<hbm>> -> memref<128x144xf32, #tpu.memory_space<hbm>>
        tpu.wait_dma2 semaphore(%run_scoped3A : memref<!tpu.dma_semaphore, #tpu.memory_space<semaphore_mem>>) src(%arg10 : memref<128x144xf32, #tpu.memory_space<vmem>>) dst(%dma_wait3A_39 : memref<128x144xf32, #tpu.memory_space<hbm>>)
        tpu.yield
      }) : () -> ()
      %mul3A_30 = arith.constant 128 : i32
      %mul3A_31 = arith.muli %add3A_17, %mul3A_30 : i32
      "tpu.region"() ({
        %run_scoped3A = tpu.sem_alloc : memref<!tpu.dma_semaphore, #tpu.memory_space<semaphore_mem>>
        %dma_start3A_32 = arith.constant 0 : i32
        %dma_start3A_33 = tpu.memref_slice %arg7[%mul3A_31, %dma_start3A_32] : memref<320000x144xf32, #tpu.memory_space<hbm>> -> memref<128x144xf32, #tpu.memory_space<hbm>>
        %dma_start3A_34 = arith.constant 0 : i32
        %dma_start3A_35 = tpu.memref_slice %arg7[%mul3A_31, %dma_start3A_34] : memref<320000x144xf32, #tpu.memory_space<hbm>> -> memref<128x144xf32, #tpu.memory_space<hbm>>
        tpu.enqueue_dma source(%arg11 : memref<128x144xf32, #tpu.memory_space<vmem>>) target(%dma_start3A_35 : memref<128x144xf32, #tpu.memory_space<hbm>>) target_semaphore(%run_scoped3A : memref<!tpu.dma_semaphore, #tpu.memory_space<semaphore_mem>>)
        %dma_wait3A_36 = arith.constant 0 : i32
        %dma_wait3A_37 = tpu.memref_slice %arg7[%mul3A_31, %dma_wait3A_36] : memref<320000x144xf32, #tpu.memory_space<hbm>> -> memref<128x144xf32, #tpu.memory_space<hbm>>
        %dma_wait3A_38 = arith.constant 0 : i32
        %dma_wait3A_39 = tpu.memref_slice %arg7[%mul3A_31, %dma_wait3A_38] : memref<320000x144xf32, #tpu.memory_space<hbm>> -> memref<128x144xf32, #tpu.memory_space<hbm>>
        tpu.wait_dma2 semaphore(%run_scoped3A : memref<!tpu.dma_semaphore, #tpu.memory_space<semaphore_mem>>) src(%arg11 : memref<128x144xf32, #tpu.memory_space<vmem>>) dst(%dma_wait3A_39 : memref<128x144xf32, #tpu.memory_space<hbm>>)
        tpu.yield
      }) : () -> ()
    }
    return
  }
}

#map = affine_map<(d0, d1) -> (0, 0)>
#map1 = affine_map<(d0, d1) -> (0, 0, 0)>
module attributes {stable_mosaic.version = 14 : i64} {
  func.func @scatter_k(%arg0: i32, %arg1: i32, %arg2: memref<320000x144xf32, #tpu.memory_space<hbm>>, %arg3: memref<2500x1x128xi32, #tpu.memory_space<hbm>>, %arg4: memref<16x144xf32, #tpu.memory_space<hbm>>, %arg5: memref<2x10000x144xf32, #tpu.memory_space<hbm>>, %arg6: memref<128x144xf32, #tpu.memory_space<vmem>>, %arg7: memref<1x128xi32, #tpu.memory_space<vmem>>, %arg8: memref<10000x144xf32, #tpu.memory_space<vmem_shared>>) attributes {dimension_semantics = [#tpu.dimension_semantics<core_parallel>, #tpu.dimension_semantics<subcore_parallel>], iteration_bounds = array<i64: 2, 16>, scalar_prefetch = 0 : i64, scratch_operands = 3 : i64, tpu.core_type = #tpu.core_type<sc_vector_subcore>, window_params = [{transform_indices = #map}, {transform_indices = #map1}, {transform_indices = #map}, {transform_indices = #map1}]} {
    %mul3A = arith.constant 2 : i32
    %mul3A_0 = arith.muli %arg1, %mul3A : i32
    %add3A = arith.addi %mul3A_0, %arg0 : i32
    %mul3A_1 = arith.constant 624 : i32
    %mul3A_2 = arith.muli %arg1, %mul3A_1 : i32
    %eq3A = arith.constant 15 : i32
    %eq3A_3 = arith.cmpi eq, %arg1, %eq3A : i32
    %jit3A = arith.constant 640 : i32
    %jit3A_4 = arith.constant 624 : i32
    %select_n3A = arith.select %eq3A_3, %jit3A, %jit3A_4 : i32
    %jit3A_5 = arith.constant 16 : i32
    %div3A = arith.divsi %select_n3A, %jit3A_5 : i32
    %sign3A = arith.constant 0 : i32
    %sign3A_6 = arith.cmpi sgt, %select_n3A, %sign3A : i32
    %sign3A_7 = arith.extui %sign3A_6 : i1 to i32
    %sign3A_8 = arith.constant 0 : i32
    %sign3A_9 = arith.cmpi slt, %select_n3A, %sign3A_8 : i32
    %sign3A_10 = arith.extui %sign3A_9 : i1 to i32
    %sign3A_11 = arith.subi %sign3A_7, %sign3A_10 : i32
    %sign3A_12 = arith.constant 0 : i32
    %sign3A_13 = arith.cmpi sgt, %jit3A_5, %sign3A_12 : i32
    %sign3A_14 = arith.extui %sign3A_13 : i1 to i32
    %sign3A_15 = arith.constant 0 : i32
    %sign3A_16 = arith.cmpi slt, %jit3A_5, %sign3A_15 : i32
    %sign3A_17 = arith.extui %sign3A_16 : i1 to i32
    %sign3A_18 = arith.subi %sign3A_14, %sign3A_17 : i32
    %ne3A = arith.cmpi ne, %sign3A_11, %sign3A_18 : i32
    %rem3A = arith.remsi %select_n3A, %jit3A_5 : i32
    %ne3A_19 = arith.constant 0 : i32
    %ne3A_20 = arith.cmpi ne, %rem3A, %ne3A_19 : i32
    %and3A = arith.andi %ne3A, %ne3A_20 : i1
    %sub3A = arith.constant 1 : i32
    %sub3A_21 = arith.subi %div3A, %sub3A : i32
    %select_n3A_22 = arith.select %and3A, %sub3A_21, %div3A : i32
    %while3A = arith.constant 0 : i32
    %while3A_23 = arith.constant 0 : i32
    %while3A_24 = arith.subi %select_n3A_22, %while3A_23 : i32
    %while3A_25 = arith.addi %while3A_23, %while3A_24 : i32
    %while3A_26 = arith.constant 1 : i32
    %while3A_27 = arith.divsi %while3A_24, %while3A_26 : i32
    %while3A_28 = arith.muli %while3A_27, %while3A_26 : i32
    %while3A_29 = arith.addi %while3A_23, %while3A_28 : i32
    %while3A_30 = arith.constant 1 : i32
    scf.for %while3A_59 = %while3A_23 to %while3A_29 step %while3A_30  : i32 {
      %mul3A_60 = arith.constant 16 : i32
      %mul3A_61 = arith.muli %while3A_59, %mul3A_60 : i32
      %add3A_62 = arith.addi %mul3A_2, %mul3A_61 : i32
      "tpu.region"() ({
        %run_scoped3A = tpu.sem_alloc : memref<!tpu.dma_semaphore, #tpu.memory_space<semaphore_mem>>
        %dma_start3A = arith.constant 0 : i32
        %dma_start3A_63 = tpu.memref_slice %arg8[%add3A_62, %dma_start3A] : memref<10000x144xf32, #tpu.memory_space<vmem_shared>> -> memref<16x144xf32, #tpu.memory_space<vmem_shared>>
        tpu.enqueue_dma source(%arg4 : memref<16x144xf32, #tpu.memory_space<hbm>>) target(%dma_start3A_63 : memref<16x144xf32, #tpu.memory_space<vmem_shared>>) target_semaphore(%run_scoped3A : memref<!tpu.dma_semaphore, #tpu.memory_space<semaphore_mem>>)
        %dma_wait3A = arith.constant 0 : i32
        %dma_wait3A_64 = tpu.memref_slice %arg8[%add3A_62, %dma_wait3A] : memref<10000x144xf32, #tpu.memory_space<vmem_shared>> -> memref<16x144xf32, #tpu.memory_space<vmem_shared>>
        tpu.wait_dma2 semaphore(%run_scoped3A : memref<!tpu.dma_semaphore, #tpu.memory_space<semaphore_mem>>) src(%arg4 : memref<16x144xf32, #tpu.memory_space<hbm>>) dst(%dma_wait3A_64 : memref<16x144xf32, #tpu.memory_space<vmem_shared>>)
        tpu.yield
      }) : () -> ()
    }
    %while3A_31 = arith.constant 1 : i32
    scf.for %while3A_59 = %while3A_29 to %while3A_25 step %while3A_31  : i32 {
      %mul3A_60 = arith.constant 16 : i32
      %mul3A_61 = arith.muli %while3A_59, %mul3A_60 : i32
      %add3A_62 = arith.addi %mul3A_2, %mul3A_61 : i32
      "tpu.region"() ({
        %run_scoped3A = tpu.sem_alloc : memref<!tpu.dma_semaphore, #tpu.memory_space<semaphore_mem>>
        %dma_start3A = arith.constant 0 : i32
        %dma_start3A_63 = tpu.memref_slice %arg8[%add3A_62, %dma_start3A] : memref<10000x144xf32, #tpu.memory_space<vmem_shared>> -> memref<16x144xf32, #tpu.memory_space<vmem_shared>>
        tpu.enqueue_dma source(%arg4 : memref<16x144xf32, #tpu.memory_space<hbm>>) target(%dma_start3A_63 : memref<16x144xf32, #tpu.memory_space<vmem_shared>>) target_semaphore(%run_scoped3A : memref<!tpu.dma_semaphore, #tpu.memory_space<semaphore_mem>>)
        %dma_wait3A = arith.constant 0 : i32
        %dma_wait3A_64 = tpu.memref_slice %arg8[%add3A_62, %dma_wait3A] : memref<10000x144xf32, #tpu.memory_space<vmem_shared>> -> memref<16x144xf32, #tpu.memory_space<vmem_shared>>
        tpu.wait_dma2 semaphore(%run_scoped3A : memref<!tpu.dma_semaphore, #tpu.memory_space<semaphore_mem>>) src(%arg4 : memref<16x144xf32, #tpu.memory_space<hbm>>) dst(%dma_wait3A_64 : memref<16x144xf32, #tpu.memory_space<vmem_shared>>)
        tpu.yield
      }) : () -> ()
    }
    %barrier3A = arith.constant 0 : index
    tpu.barrier barrier_id(%barrier3A)
    %lt3A = arith.constant 4 : i32
    %lt3A_32 = arith.cmpi slt, %add3A, %lt3A : i32
    %jit3A_33 = arith.constant 1 : i32
    %jit3A_34 = arith.constant 0 : i32
    %select_n3A_35 = arith.select %lt3A_32, %jit3A_33, %jit3A_34 : i32
    %add3A_36 = arith.constant 78 : i32
    %add3A_37 = arith.addi %add3A_36, %select_n3A_35 : i32
    %while3A_38 = arith.constant 0 : i32
    %while3A_39 = arith.constant 0 : i32
    %while3A_40 = arith.subi %add3A_37, %while3A_39 : i32
    %while3A_41 = arith.addi %while3A_39, %while3A_40 : i32
    %while3A_42 = arith.constant 1 : i32
    %while3A_43 = arith.divsi %while3A_40, %while3A_42 : i32
    %while3A_44 = arith.muli %while3A_43, %while3A_42 : i32
    %while3A_45 = arith.addi %while3A_39, %while3A_44 : i32
    %while3A_46 = arith.constant 1 : i32
    scf.for %while3A_59 = %while3A_39 to %while3A_45 step %while3A_46  : i32 {
      %mul3A_60 = arith.constant 32 : i32
      %mul3A_61 = arith.muli %while3A_59, %mul3A_60 : i32
      %add3A_62 = arith.addi %add3A, %mul3A_61 : i32
      "tpu.region"() ({
        %run_scoped3A_65 = tpu.sem_alloc : memref<!tpu.dma_semaphore, #tpu.memory_space<semaphore_mem>>
        %dma_start3A = arith.constant 0 : i32
        %dma_start3A_66 = arith.constant 0 : i32
        %dma_start3A_67 = tpu.memref_slice %arg3[%add3A_62, %dma_start3A, %dma_start3A_66] : memref<2500x1x128xi32, #tpu.memory_space<hbm>> -> memref<1x1x128xi32, #tpu.memory_space<hbm>>
        %dma_start3A_68 = tpu.memref_squeeze %dma_start3A_67 : memref<1x1x128xi32, #tpu.memory_space<hbm>> -> memref<1x128xi32, #tpu.memory_space<hbm>>
        %dma_start3A_69 = arith.constant 0 : i32
        %dma_start3A_70 = arith.constant 0 : i32
        %dma_start3A_71 = tpu.memref_slice %arg3[%add3A_62, %dma_start3A_69, %dma_start3A_70] : memref<2500x1x128xi32, #tpu.memory_space<hbm>> -> memref<1x1x128xi32, #tpu.memory_space<hbm>>
        %dma_start3A_72 = tpu.memref_squeeze %dma_start3A_71 : memref<1x1x128xi32, #tpu.memory_space<hbm>> -> memref<1x128xi32, #tpu.memory_space<hbm>>
        tpu.enqueue_dma source(%dma_start3A_72 : memref<1x128xi32, #tpu.memory_space<hbm>>) target(%arg7 : memref<1x128xi32, #tpu.memory_space<vmem>>) target_semaphore(%run_scoped3A_65 : memref<!tpu.dma_semaphore, #tpu.memory_space<semaphore_mem>>)
        %dma_wait3A = arith.constant 0 : i32
        %dma_wait3A_73 = arith.constant 0 : i32
        %dma_wait3A_74 = tpu.memref_slice %arg3[%add3A_62, %dma_wait3A, %dma_wait3A_73] : memref<2500x1x128xi32, #tpu.memory_space<hbm>> -> memref<1x1x128xi32, #tpu.memory_space<hbm>>
        %dma_wait3A_75 = tpu.memref_squeeze %dma_wait3A_74 : memref<1x1x128xi32, #tpu.memory_space<hbm>> -> memref<1x128xi32, #tpu.memory_space<hbm>>
        %dma_wait3A_76 = arith.constant 0 : i32
        %dma_wait3A_77 = arith.constant 0 : i32
        %dma_wait3A_78 = tpu.memref_slice %arg3[%add3A_62, %dma_wait3A_76, %dma_wait3A_77] : memref<2500x1x128xi32, #tpu.memory_space<hbm>> -> memref<1x1x128xi32, #tpu.memory_space<hbm>>
        %dma_wait3A_79 = tpu.memref_squeeze %dma_wait3A_78 : memref<1x1x128xi32, #tpu.memory_space<hbm>> -> memref<1x128xi32, #tpu.memory_space<hbm>>
        tpu.wait_dma2 semaphore(%run_scoped3A_65 : memref<!tpu.dma_semaphore, #tpu.memory_space<semaphore_mem>>) src(%dma_wait3A_79 : memref<1x128xi32, #tpu.memory_space<hbm>>) dst(%arg7 : memref<1x128xi32, #tpu.memory_space<vmem>>)
        tpu.yield
      }) : () -> ()
      %mul3A_63 = arith.constant 128 : i32
      %mul3A_64 = arith.muli %add3A_62, %mul3A_63 : i32
      "tpu.region"() ({
        %run_scoped3A_65 = tpu.sem_alloc : memref<!tpu.dma_semaphore, #tpu.memory_space<semaphore_mem>>
        %dma_start3A = arith.constant 0 : i32
        %dma_start3A_66 = tpu.memref_slice %arg2[%mul3A_64, %dma_start3A] : memref<320000x144xf32, #tpu.memory_space<hbm>> -> memref<128x144xf32, #tpu.memory_space<hbm>>
        %dma_start3A_67 = arith.constant 0 : i32
        %dma_start3A_68 = tpu.memref_slice %arg2[%mul3A_64, %dma_start3A_67] : memref<320000x144xf32, #tpu.memory_space<hbm>> -> memref<128x144xf32, #tpu.memory_space<hbm>>
        tpu.enqueue_dma source(%dma_start3A_68 : memref<128x144xf32, #tpu.memory_space<hbm>>) target(%arg6 : memref<128x144xf32, #tpu.memory_space<vmem>>) target_semaphore(%run_scoped3A_65 : memref<!tpu.dma_semaphore, #tpu.memory_space<semaphore_mem>>)
        %dma_wait3A = arith.constant 0 : i32
        %dma_wait3A_69 = tpu.memref_slice %arg2[%mul3A_64, %dma_wait3A] : memref<320000x144xf32, #tpu.memory_space<hbm>> -> memref<128x144xf32, #tpu.memory_space<hbm>>
        %dma_wait3A_70 = arith.constant 0 : i32
        %dma_wait3A_71 = tpu.memref_slice %arg2[%mul3A_64, %dma_wait3A_70] : memref<320000x144xf32, #tpu.memory_space<hbm>> -> memref<128x144xf32, #tpu.memory_space<hbm>>
        tpu.wait_dma2 semaphore(%run_scoped3A_65 : memref<!tpu.dma_semaphore, #tpu.memory_space<semaphore_mem>>) src(%dma_wait3A_71 : memref<128x144xf32, #tpu.memory_space<hbm>>) dst(%arg6 : memref<128x144xf32, #tpu.memory_space<vmem>>)
        tpu.yield
      }) : () -> ()
      %run_scoped3A = arith.constant 0 : i32
      "tpu.region"() ({
        %run_scoped3A_65 = tpu.sem_alloc : memref<!tpu.dma_semaphore, #tpu.memory_space<semaphore_mem>>
        %dma_start3A = arith.constant 0 : i32
        %dma_start3A_66 = tpu.memref_slice %arg7[%run_scoped3A, %dma_start3A] : memref<1x128xi32, #tpu.memory_space<vmem>> -> memref<1x128xi32, #tpu.memory_space<vmem>>
        %dma_start3A_67 = tpu.memref_squeeze %dma_start3A_66 : memref<1x128xi32, #tpu.memory_space<vmem>> -> memref<128xi32, #tpu.memory_space<vmem>>
        %dma_start3A_68 = arith.constant 0 : i32
        %dma_start3A_69 = arith.constant 0 : i32
        %dma_start3A_70 = tpu.memref_slice %arg8[%dma_start3A_68, %dma_start3A_69] : memref<10000x144xf32, #tpu.memory_space<vmem_shared>> -> memref<10000x144xf32, #tpu.memory_space<vmem_shared>>
        tpu.enqueue_indirect_dma source(%arg6 : memref<128x144xf32, #tpu.memory_space<vmem>>) target(%dma_start3A_70 : memref<10000x144xf32, #tpu.memory_space<vmem_shared>>) offsets(%dma_start3A_67 : memref<128xi32, #tpu.memory_space<vmem>>) semaphore(%run_scoped3A_65 : memref<!tpu.dma_semaphore, #tpu.memory_space<semaphore_mem>>) {add = true}
        %dma_wait3A = arith.constant 0 : i32
        %dma_wait3A_71 = tpu.memref_slice %arg7[%run_scoped3A, %dma_wait3A] : memref<1x128xi32, #tpu.memory_space<vmem>> -> memref<1x128xi32, #tpu.memory_space<vmem>>
        %dma_wait3A_72 = tpu.memref_squeeze %dma_wait3A_71 : memref<1x128xi32, #tpu.memory_space<vmem>> -> memref<128xi32, #tpu.memory_space<vmem>>
        %dma_wait3A_73 = arith.constant 0 : i32
        %dma_wait3A_74 = arith.constant 0 : i32
        %dma_wait3A_75 = tpu.memref_slice %arg8[%dma_wait3A_73, %dma_wait3A_74] : memref<10000x144xf32, #tpu.memory_space<vmem_shared>> -> memref<10000x144xf32, #tpu.memory_space<vmem_shared>>
        tpu.wait_indirect_dma semaphore(%run_scoped3A_65 : memref<!tpu.dma_semaphore, #tpu.memory_space<semaphore_mem>>) src(%arg6 : memref<128x144xf32, #tpu.memory_space<vmem>>) dst(%dma_wait3A_75 : memref<10000x144xf32, #tpu.memory_space<vmem_shared>>)
        tpu.yield
      }) : () -> ()
    }
    %while3A_47 = arith.constant 1 : i32
    scf.for %while3A_59 = %while3A_45 to %while3A_41 step %while3A_47  : i32 {
      %mul3A_60 = arith.constant 32 : i32
      %mul3A_61 = arith.muli %while3A_59, %mul3A_60 : i32
      %add3A_62 = arith.addi %add3A, %mul3A_61 : i32
      "tpu.region"() ({
        %run_scoped3A_65 = tpu.sem_alloc : memref<!tpu.dma_semaphore, #tpu.memory_space<semaphore_mem>>
        %dma_start3A = arith.constant 0 : i32
        %dma_start3A_66 = arith.constant 0 : i32
        %dma_start3A_67 = tpu.memref_slice %arg3[%add3A_62, %dma_start3A, %dma_start3A_66] : memref<2500x1x128xi32, #tpu.memory_space<hbm>> -> memref<1x1x128xi32, #tpu.memory_space<hbm>>
        %dma_start3A_68 = tpu.memref_squeeze %dma_start3A_67 : memref<1x1x128xi32, #tpu.memory_space<hbm>> -> memref<1x128xi32, #tpu.memory_space<hbm>>
        %dma_start3A_69 = arith.constant 0 : i32
        %dma_start3A_70 = arith.constant 0 : i32
        %dma_start3A_71 = tpu.memref_slice %arg3[%add3A_62, %dma_start3A_69, %dma_start3A_70] : memref<2500x1x128xi32, #tpu.memory_space<hbm>> -> memref<1x1x128xi32, #tpu.memory_space<hbm>>
        %dma_start3A_72 = tpu.memref_squeeze %dma_start3A_71 : memref<1x1x128xi32, #tpu.memory_space<hbm>> -> memref<1x128xi32, #tpu.memory_space<hbm>>
        tpu.enqueue_dma source(%dma_start3A_72 : memref<1x128xi32, #tpu.memory_space<hbm>>) target(%arg7 : memref<1x128xi32, #tpu.memory_space<vmem>>) target_semaphore(%run_scoped3A_65 : memref<!tpu.dma_semaphore, #tpu.memory_space<semaphore_mem>>)
        %dma_wait3A = arith.constant 0 : i32
        %dma_wait3A_73 = arith.constant 0 : i32
        %dma_wait3A_74 = tpu.memref_slice %arg3[%add3A_62, %dma_wait3A, %dma_wait3A_73] : memref<2500x1x128xi32, #tpu.memory_space<hbm>> -> memref<1x1x128xi32, #tpu.memory_space<hbm>>
        %dma_wait3A_75 = tpu.memref_squeeze %dma_wait3A_74 : memref<1x1x128xi32, #tpu.memory_space<hbm>> -> memref<1x128xi32, #tpu.memory_space<hbm>>
        %dma_wait3A_76 = arith.constant 0 : i32
        %dma_wait3A_77 = arith.constant 0 : i32
        %dma_wait3A_78 = tpu.memref_slice %arg3[%add3A_62, %dma_wait3A_76, %dma_wait3A_77] : memref<2500x1x128xi32, #tpu.memory_space<hbm>> -> memref<1x1x128xi32, #tpu.memory_space<hbm>>
        %dma_wait3A_79 = tpu.memref_squeeze %dma_wait3A_78 : memref<1x1x128xi32, #tpu.memory_space<hbm>> -> memref<1x128xi32, #tpu.memory_space<hbm>>
        tpu.wait_dma2 semaphore(%run_scoped3A_65 : memref<!tpu.dma_semaphore, #tpu.memory_space<semaphore_mem>>) src(%dma_wait3A_79 : memref<1x128xi32, #tpu.memory_space<hbm>>) dst(%arg7 : memref<1x128xi32, #tpu.memory_space<vmem>>)
        tpu.yield
      }) : () -> ()
      %mul3A_63 = arith.constant 128 : i32
      %mul3A_64 = arith.muli %add3A_62, %mul3A_63 : i32
      "tpu.region"() ({
        %run_scoped3A_65 = tpu.sem_alloc : memref<!tpu.dma_semaphore, #tpu.memory_space<semaphore_mem>>
        %dma_start3A = arith.constant 0 : i32
        %dma_start3A_66 = tpu.memref_slice %arg2[%mul3A_64, %dma_start3A] : memref<320000x144xf32, #tpu.memory_space<hbm>> -> memref<128x144xf32, #tpu.memory_space<hbm>>
        %dma_start3A_67 = arith.constant 0 : i32
        %dma_start3A_68 = tpu.memref_slice %arg2[%mul3A_64, %dma_start3A_67] : memref<320000x144xf32, #tpu.memory_space<hbm>> -> memref<128x144xf32, #tpu.memory_space<hbm>>
        tpu.enqueue_dma source(%dma_start3A_68 : memref<128x144xf32, #tpu.memory_space<hbm>>) target(%arg6 : memref<128x144xf32, #tpu.memory_space<vmem>>) target_semaphore(%run_scoped3A_65 : memref<!tpu.dma_semaphore, #tpu.memory_space<semaphore_mem>>)
        %dma_wait3A = arith.constant 0 : i32
        %dma_wait3A_69 = tpu.memref_slice %arg2[%mul3A_64, %dma_wait3A] : memref<320000x144xf32, #tpu.memory_space<hbm>> -> memref<128x144xf32, #tpu.memory_space<hbm>>
        %dma_wait3A_70 = arith.constant 0 : i32
        %dma_wait3A_71 = tpu.memref_slice %arg2[%mul3A_64, %dma_wait3A_70] : memref<320000x144xf32, #tpu.memory_space<hbm>> -> memref<128x144xf32, #tpu.memory_space<hbm>>
        tpu.wait_dma2 semaphore(%run_scoped3A_65 : memref<!tpu.dma_semaphore, #tpu.memory_space<semaphore_mem>>) src(%dma_wait3A_71 : memref<128x144xf32, #tpu.memory_space<hbm>>) dst(%arg6 : memref<128x144xf32, #tpu.memory_space<vmem>>)
        tpu.yield
      }) : () -> ()
      %run_scoped3A = arith.constant 0 : i32
      "tpu.region"() ({
        %run_scoped3A_65 = tpu.sem_alloc : memref<!tpu.dma_semaphore, #tpu.memory_space<semaphore_mem>>
        %dma_start3A = arith.constant 0 : i32
        %dma_start3A_66 = tpu.memref_slice %arg7[%run_scoped3A, %dma_start3A] : memref<1x128xi32, #tpu.memory_space<vmem>> -> memref<1x128xi32, #tpu.memory_space<vmem>>
        %dma_start3A_67 = tpu.memref_squeeze %dma_start3A_66 : memref<1x128xi32, #tpu.memory_space<vmem>> -> memref<128xi32, #tpu.memory_space<vmem>>
        %dma_start3A_68 = arith.constant 0 : i32
        %dma_start3A_69 = arith.constant 0 : i32
        %dma_start3A_70 = tpu.memref_slice %arg8[%dma_start3A_68, %dma_start3A_69] : memref<10000x144xf32, #tpu.memory_space<vmem_shared>> -> memref<10000x144xf32, #tpu.memory_space<vmem_shared>>
        tpu.enqueue_indirect_dma source(%arg6 : memref<128x144xf32, #tpu.memory_space<vmem>>) target(%dma_start3A_70 : memref<10000x144xf32, #tpu.memory_space<vmem_shared>>) offsets(%dma_start3A_67 : memref<128xi32, #tpu.memory_space<vmem>>) semaphore(%run_scoped3A_65 : memref<!tpu.dma_semaphore, #tpu.memory_space<semaphore_mem>>) {add = true}
        %dma_wait3A = arith.constant 0 : i32
        %dma_wait3A_71 = tpu.memref_slice %arg7[%run_scoped3A, %dma_wait3A] : memref<1x128xi32, #tpu.memory_space<vmem>> -> memref<1x128xi32, #tpu.memory_space<vmem>>
        %dma_wait3A_72 = tpu.memref_squeeze %dma_wait3A_71 : memref<1x128xi32, #tpu.memory_space<vmem>> -> memref<128xi32, #tpu.memory_space<vmem>>
        %dma_wait3A_73 = arith.constant 0 : i32
        %dma_wait3A_74 = arith.constant 0 : i32
        %dma_wait3A_75 = tpu.memref_slice %arg8[%dma_wait3A_73, %dma_wait3A_74] : memref<10000x144xf32, #tpu.memory_space<vmem_shared>> -> memref<10000x144xf32, #tpu.memory_space<vmem_shared>>
        tpu.wait_indirect_dma semaphore(%run_scoped3A_65 : memref<!tpu.dma_semaphore, #tpu.memory_space<semaphore_mem>>) src(%arg6 : memref<128x144xf32, #tpu.memory_space<vmem>>) dst(%dma_wait3A_75 : memref<10000x144xf32, #tpu.memory_space<vmem_shared>>)
        tpu.yield
      }) : () -> ()
    }
    %barrier3A_48 = arith.constant 0 : index
    tpu.barrier barrier_id(%barrier3A_48)
    %while3A_49 = arith.constant 0 : i32
    %while3A_50 = arith.constant 0 : i32
    %while3A_51 = arith.subi %select_n3A_22, %while3A_50 : i32
    %while3A_52 = arith.addi %while3A_50, %while3A_51 : i32
    %while3A_53 = arith.constant 1 : i32
    %while3A_54 = arith.divsi %while3A_51, %while3A_53 : i32
    %while3A_55 = arith.muli %while3A_54, %while3A_53 : i32
    %while3A_56 = arith.addi %while3A_50, %while3A_55 : i32
    %while3A_57 = arith.constant 1 : i32
    scf.for %while3A_59 = %while3A_50 to %while3A_56 step %while3A_57  : i32 {
      %mul3A_60 = arith.constant 16 : i32
      %mul3A_61 = arith.muli %while3A_59, %mul3A_60 : i32
      %add3A_62 = arith.addi %mul3A_2, %mul3A_61 : i32
      "tpu.region"() ({
        %run_scoped3A = tpu.sem_alloc : memref<!tpu.dma_semaphore, #tpu.memory_space<semaphore_mem>>
        %dma_start3A = arith.constant 0 : i32
        %dma_start3A_63 = tpu.memref_slice %arg5[%arg0, %add3A_62, %dma_start3A] : memref<2x10000x144xf32, #tpu.memory_space<hbm>> -> memref<1x16x144xf32, #tpu.memory_space<hbm>>
        %dma_start3A_64 = tpu.memref_squeeze %dma_start3A_63 : memref<1x16x144xf32, #tpu.memory_space<hbm>> -> memref<16x144xf32, #tpu.memory_space<hbm>>
        %dma_start3A_65 = arith.constant 0 : i32
        %dma_start3A_66 = tpu.memref_slice %arg8[%add3A_62, %dma_start3A_65] : memref<10000x144xf32, #tpu.memory_space<vmem_shared>> -> memref<16x144xf32, #tpu.memory_space<vmem_shared>>
        tpu.enqueue_dma source(%dma_start3A_66 : memref<16x144xf32, #tpu.memory_space<vmem_shared>>) target(%dma_start3A_64 : memref<16x144xf32, #tpu.memory_space<hbm>>) target_semaphore(%run_scoped3A : memref<!tpu.dma_semaphore, #tpu.memory_space<semaphore_mem>>)
        %dma_wait3A = arith.constant 0 : i32
        %dma_wait3A_67 = tpu.memref_slice %arg5[%arg0, %add3A_62, %dma_wait3A] : memref<2x10000x144xf32, #tpu.memory_space<hbm>> -> memref<1x16x144xf32, #tpu.memory_space<hbm>>
        %dma_wait3A_68 = tpu.memref_squeeze %dma_wait3A_67 : memref<1x16x144xf32, #tpu.memory_space<hbm>> -> memref<16x144xf32, #tpu.memory_space<hbm>>
        %dma_wait3A_69 = arith.constant 0 : i32
        %dma_wait3A_70 = tpu.memref_slice %arg8[%add3A_62, %dma_wait3A_69] : memref<10000x144xf32, #tpu.memory_space<vmem_shared>> -> memref<16x144xf32, #tpu.memory_space<vmem_shared>>
        tpu.wait_dma2 semaphore(%run_scoped3A : memref<!tpu.dma_semaphore, #tpu.memory_space<semaphore_mem>>) src(%dma_wait3A_70 : memref<16x144xf32, #tpu.memory_space<vmem_shared>>) dst(%dma_wait3A_68 : memref<16x144xf32, #tpu.memory_space<hbm>>)
        tpu.yield
      }) : () -> ()
    }
    %while3A_58 = arith.constant 1 : i32
    scf.for %while3A_59 = %while3A_56 to %while3A_52 step %while3A_58  : i32 {
      %mul3A_60 = arith.constant 16 : i32
      %mul3A_61 = arith.muli %while3A_59, %mul3A_60 : i32
      %add3A_62 = arith.addi %mul3A_2, %mul3A_61 : i32
      "tpu.region"() ({
        %run_scoped3A = tpu.sem_alloc : memref<!tpu.dma_semaphore, #tpu.memory_space<semaphore_mem>>
        %dma_start3A = arith.constant 0 : i32
        %dma_start3A_63 = tpu.memref_slice %arg5[%arg0, %add3A_62, %dma_start3A] : memref<2x10000x144xf32, #tpu.memory_space<hbm>> -> memref<1x16x144xf32, #tpu.memory_space<hbm>>
        %dma_start3A_64 = tpu.memref_squeeze %dma_start3A_63 : memref<1x16x144xf32, #tpu.memory_space<hbm>> -> memref<16x144xf32, #tpu.memory_space<hbm>>
        %dma_start3A_65 = arith.constant 0 : i32
        %dma_start3A_66 = tpu.memref_slice %arg8[%add3A_62, %dma_start3A_65] : memref<10000x144xf32, #tpu.memory_space<vmem_shared>> -> memref<16x144xf32, #tpu.memory_space<vmem_shared>>
        tpu.enqueue_dma source(%dma_start3A_66 : memref<16x144xf32, #tpu.memory_space<vmem_shared>>) target(%dma_start3A_64 : memref<16x144xf32, #tpu.memory_space<hbm>>) target_semaphore(%run_scoped3A : memref<!tpu.dma_semaphore, #tpu.memory_space<semaphore_mem>>)
        %dma_wait3A = arith.constant 0 : i32
        %dma_wait3A_67 = tpu.memref_slice %arg5[%arg0, %add3A_62, %dma_wait3A] : memref<2x10000x144xf32, #tpu.memory_space<hbm>> -> memref<1x16x144xf32, #tpu.memory_space<hbm>>
        %dma_wait3A_68 = tpu.memref_squeeze %dma_wait3A_67 : memref<1x16x144xf32, #tpu.memory_space<hbm>> -> memref<16x144xf32, #tpu.memory_space<hbm>>
        %dma_wait3A_69 = arith.constant 0 : i32
        %dma_wait3A_70 = tpu.memref_slice %arg8[%add3A_62, %dma_wait3A_69] : memref<10000x144xf32, #tpu.memory_space<vmem_shared>> -> memref<16x144xf32, #tpu.memory_space<vmem_shared>>
        tpu.wait_dma2 semaphore(%run_scoped3A : memref<!tpu.dma_semaphore, #tpu.memory_space<semaphore_mem>>) src(%dma_wait3A_70 : memref<16x144xf32, #tpu.memory_space<vmem_shared>>) dst(%dma_wait3A_68 : memref<16x144xf32, #tpu.memory_space<hbm>>)
        tpu.yield
      }) : () -> ()
    }
    return
  }
}

module attributes {stable_mosaic.version = 14 : i64} {
  func.func @_prep_body(%arg0: i32, %arg1: memref<1000x128xf32, #tpu.memory_space<vmem>>, %arg2: memref<1000x16xf32, #tpu.memory_space<vmem>>, %arg3: memref<128x128xf32, #tpu.memory_space<vmem>>, %arg4: memref<128x128xf32, #tpu.memory_space<vmem>>, %arg5: memref<1000x144xf32, #tpu.memory_space<vmem>>, %arg6: memref<1000x144xf32, #tpu.memory_space<vmem>>) attributes {dimension_semantics = [#tpu.dimension_semantics<arbitrary>], iteration_bounds = array<i64: 10>, scalar_prefetch = 0 : i64, scratch_operands = 0 : i64, tpu.core_type = #tpu.core_type<tc>, window_params = [{transform_indices = @transform_0, window_bounds = array<i64: 1000, 128>}, {transform_indices = @transform_1, window_bounds = array<i64: 1000, 16>}, {pipeline_mode = #tpu.pipeline_mode<synchronous>, transform_indices = @transform_2, window_bounds = array<i64: 128, 128>}, {pipeline_mode = #tpu.pipeline_mode<synchronous>, transform_indices = @transform_3, window_bounds = array<i64: 128, 128>}, {transform_indices = @transform_4, window_bounds = array<i64: 1000, 144>}, {transform_indices = @transform_5, window_bounds = array<i64: 1000, 144>}]} {
    %get3A = arith.constant 0 : index
    %get3A_0 = arith.constant 0 : index
    %get3A_1 = vector.load %arg1[%get3A, %get3A_0] : memref<1000x128xf32, #tpu.memory_space<vmem>>, vector<1000x128xf32>
    %get3A_2 = arith.constant 0 : index
    %get3A_3 = arith.constant 0 : index
    %get3A_4 = vector.load %arg3[%get3A_2, %get3A_3] : memref<128x128xf32, #tpu.memory_space<vmem>>, vector<128x128xf32>
    %dot_general3A = arith.constant dense<0.000000e+00> : vector<1000x128xf32>
    %dot_general3A_5 = tpu.matmul %get3A_1, %get3A_4, %dot_general3A {dimension_numbers = #tpu.dot_dimension_numbers<[1], [0], [0], [1], [0, 0, 1, 1], [], []>, transpose_lhs_hint = false} : vector<1000x128xf32>, vector<128x128xf32>, vector<1000x128xf32> -> vector<1000x128xf32>
    %swap3A = arith.constant 0 : index
    %swap3A_6 = arith.constant 0 : index
    %swap3A_7 = vector.load %arg5[%swap3A, %swap3A_6] : memref<1000x144xf32, #tpu.memory_space<vmem>>, vector<1000x128xf32>
    tpu.vector_store %arg5[%swap3A, %swap3A_6], %dot_general3A_5 {strides = array<i32>} : memref<1000x144xf32, #tpu.memory_space<vmem>>, vector<1000x128xf32>,
    %get3A_8 = arith.constant 0 : index
    %get3A_9 = arith.constant 0 : index
    %get3A_10 = vector.load %arg4[%get3A_8, %get3A_9] : memref<128x128xf32, #tpu.memory_space<vmem>>, vector<128x128xf32>
    %dot_general3A_11 = arith.constant dense<0.000000e+00> : vector<1000x128xf32>
    %dot_general3A_12 = tpu.matmul %get3A_1, %get3A_10, %dot_general3A_11 {dimension_numbers = #tpu.dot_dimension_numbers<[1], [0], [0], [1], [0, 0, 1, 1], [], []>, transpose_lhs_hint = false} : vector<1000x128xf32>, vector<128x128xf32>, vector<1000x128xf32> -> vector<1000x128xf32>
    %swap3A_13 = arith.constant 0 : index
    %swap3A_14 = arith.constant 0 : index
    %swap3A_15 = vector.load %arg6[%swap3A_13, %swap3A_14] : memref<1000x144xf32, #tpu.memory_space<vmem>>, vector<1000x128xf32>
    tpu.vector_store %arg6[%swap3A_13, %swap3A_14], %dot_general3A_12 {strides = array<i32>} : memref<1000x144xf32, #tpu.memory_space<vmem>>, vector<1000x128xf32>,
    %get3A_16 = arith.constant 0 : index
    %get3A_17 = arith.constant 0 : index
    %get3A_18 = vector.load %arg2[%get3A_16, %get3A_17] : memref<1000x16xf32, #tpu.memory_space<vmem>>, vector<1000x16xf32>
    %neg3A = arith.constant 0.000000e+00 : f32
    %neg3A_19 = vector.broadcast %neg3A : f32 to vector<1000x16xf32>
    %neg3A_20 = arith.subf %neg3A_19, %get3A_18 : vector<1000x16xf32>
    %swap3A_21 = arith.constant 0 : index
    %swap3A_22 = arith.constant 128 : index
    %swap3A_23 = vector.load %arg5[%swap3A_21, %swap3A_22] : memref<1000x144xf32, #tpu.memory_space<vmem>>, vector<1000x16xf32>
    tpu.vector_store %arg5[%swap3A_21, %swap3A_22], %neg3A_20 {strides = array<i32>} : memref<1000x144xf32, #tpu.memory_space<vmem>>, vector<1000x16xf32>,
    %swap3A_24 = arith.constant 0 : index
    %swap3A_25 = arith.constant 128 : index
    %swap3A_26 = vector.load %arg6[%swap3A_24, %swap3A_25] : memref<1000x144xf32, #tpu.memory_space<vmem>>, vector<1000x16xf32>
    tpu.vector_store %arg6[%swap3A_24, %swap3A_25], %get3A_18 {strides = array<i32>} : memref<1000x144xf32, #tpu.memory_space<vmem>>, vector<1000x16xf32>,
    return
  }
  func.func @transform_0(%arg0: i32) -> (i32, i32) {
    %c0_i32 = arith.constant 0 : i32
    %c0_i32_0 = arith.constant 0 : i32
    return %arg0, %c0_i32 : i32, i32
  }
  func.func @transform_1(%arg0: i32) -> (i32, i32) {
    %c0_i32 = arith.constant 0 : i32
    %c0_i32_0 = arith.constant 0 : i32
    return %arg0, %c0_i32 : i32, i32
  }
  func.func @transform_2(%arg0: i32) -> (i32, i32) {
    %c0_i32 = arith.constant 0 : i32
    %c0_i32_0 = arith.constant 0 : i32
    %c0_i32_1 = arith.constant 0 : i32
    return %c0_i32, %c0_i32_0 : i32, i32
  }
  func.func @transform_3(%arg0: i32) -> (i32, i32) {
    %c0_i32 = arith.constant 0 : i32
    %c0_i32_0 = arith.constant 0 : i32
    %c0_i32_1 = arith.constant 0 : i32
    return %c0_i32, %c0_i32_0 : i32, i32
  }
  func.func @transform_4(%arg0: i32) -> (i32, i32) {
    %c0_i32 = arith.constant 0 : i32
    %c0_i32_0 = arith.constant 0 : i32
    return %arg0, %c0_i32 : i32, i32
  }
  func.func @transform_5(%arg0: i32) -> (i32, i32) {
    %c0_i32 = arith.constant 0 : i32
    %c0_i32_0 = arith.constant 0 : i32
    return %arg0, %c0_i32 : i32, i32
  }
}

module attributes {stable_mosaic.version = 14 : i64} {
  func.func @_edge_body(%arg0: i32, %arg1: memref<2000x144xf32, #tpu.memory_space<vmem>>, %arg2: memref<2000x144xf32, #tpu.memory_space<vmem>>, %arg3: memref<2000x16xf32, #tpu.memory_space<vmem>>, %arg4: memref<16x128xf32, #tpu.memory_space<vmem>>, %arg5: memref<1x128xf32, #tpu.memory_space<vmem>>, %arg6: memref<1x128xf32, #tpu.memory_space<vmem>>, %arg7: memref<128x128xf32, #tpu.memory_space<vmem>>, %arg8: memref<1x128xf32, #tpu.memory_space<vmem>>, %arg9: memref<128x128xf32, #tpu.memory_space<vmem>>, %arg10: memref<1x128xf32, #tpu.memory_space<vmem>>, %arg11: memref<128x8xf32, #tpu.memory_space<vmem>>, %arg12: memref<2000x144xf32, #tpu.memory_space<vmem>>) attributes {dimension_semantics = [#tpu.dimension_semantics<arbitrary>], iteration_bounds = array<i64: 160>, scalar_prefetch = 0 : i64, scratch_operands = 0 : i64, tpu.core_type = #tpu.core_type<tc>, window_params = [{transform_indices = @transform_0, window_bounds = array<i64: 2000, 144>}, {transform_indices = @transform_1, window_bounds = array<i64: 2000, 144>}, {transform_indices = @transform_2, window_bounds = array<i64: 2000, 16>}, {pipeline_mode = #tpu.pipeline_mode<synchronous>, transform_indices = @transform_3, window_bounds = array<i64: 16, 128>}, {pipeline_mode = #tpu.pipeline_mode<synchronous>, transform_indices = @transform_4, window_bounds = array<i64: 1, 128>}, {pipeline_mode = #tpu.pipeline_mode<synchronous>, transform_indices = @transform_5, window_bounds = array<i64: 1, 128>}, {pipeline_mode = #tpu.pipeline_mode<synchronous>, transform_indices = @transform_6, window_bounds = array<i64: 128, 128>}, {pipeline_mode = #tpu.pipeline_mode<synchronous>, transform_indices = @transform_7, window_bounds = array<i64: 1, 128>}, {pipeline_mode = #tpu.pipeline_mode<synchronous>, transform_indices = @transform_8, window_bounds = array<i64: 128, 128>}, {pipeline_mode = #tpu.pipeline_mode<synchronous>, transform_indices = @transform_9, window_bounds = array<i64: 1, 128>}, {pipeline_mode = #tpu.pipeline_mode<synchronous>, transform_indices = @transform_10, window_bounds = array<i64: 128, 8>}, {transform_indices = @transform_11, window_bounds = array<i64: 2000, 144>}]} {
    %get3A = arith.constant 0 : index
    %get3A_0 = arith.constant 0 : index
    %get3A_1 = vector.load %arg1[%get3A, %get3A_0] : memref<2000x144xf32, #tpu.memory_space<vmem>>, vector<2000x144xf32>
    %get3A_2 = arith.constant 0 : index
    %get3A_3 = arith.constant 0 : index
    %get3A_4 = vector.load %arg2[%get3A_2, %get3A_3] : memref<2000x144xf32, #tpu.memory_space<vmem>>, vector<2000x144xf32>
    %slice3A = vector.extract_strided_slice %get3A_1 {offsets = [0, 0], sizes = [2000, 128], strides = [1, 1]} : vector<2000x144xf32> to vector<2000x128xf32>
    %slice3A_5 = vector.extract_strided_slice %get3A_4 {offsets = [0, 0], sizes = [2000, 128], strides = [1, 1]} : vector<2000x144xf32> to vector<2000x128xf32>
    %add3A = arith.addf %slice3A, %slice3A_5 : vector<2000x128xf32>
    %slice3A_6 = vector.extract_strided_slice %get3A_1 {offsets = [0, 128], sizes = [2000, 16], strides = [1, 1]} : vector<2000x144xf32> to vector<2000x16xf32>
    %slice3A_7 = vector.extract_strided_slice %get3A_4 {offsets = [0, 128], sizes = [2000, 16], strides = [1, 1]} : vector<2000x144xf32> to vector<2000x16xf32>
    %add3A_8 = arith.addf %slice3A_6, %slice3A_7 : vector<2000x16xf32>
    %mul3A = arith.mulf %add3A_8, %add3A_8 : vector<2000x16xf32>
    %reduce_sum3A = arith.constant dense<0.000000e+00> : vector<2000xf32>
    %reduce_sum3A_9 = vector.multi_reduction <add>, %mul3A, %reduce_sum3A [1] : vector<2000x16xf32> to vector<2000xf32>
    %broadcast_in_dim3A = vector.shape_cast %reduce_sum3A_9 : vector<2000xf32> to vector<2000x1xf32>
    %sqrt3A = math.sqrt %broadcast_in_dim3A : vector<2000x1xf32>
    %max3A = arith.constant 9.99999997E-7 : f32
    %max3A_10 = vector.broadcast %max3A : f32 to vector<2000x1xf32>
    %max3A_11 = arith.maximumf %sqrt3A, %max3A_10 : vector<2000x1xf32>
    %get3A_12 = arith.constant 0 : index
    %get3A_13 = arith.constant 0 : index
    %get3A_14 = vector.load %arg5[%get3A_12, %get3A_13] : memref<1x128xf32, #tpu.memory_space<vmem>>, vector<1x128xf32>
    %mul3A_15 = vector.broadcast %max3A_11 : vector<2000x1xf32> to vector<2000x128xf32>
    %mul3A_16 = vector.broadcast %get3A_14 : vector<1x128xf32> to vector<2000x128xf32>
    %mul3A_17 = arith.mulf %mul3A_15, %mul3A_16 : vector<2000x128xf32>
    %add3A_18 = arith.addf %add3A, %mul3A_17 : vector<2000x128xf32>
    %get3A_19 = arith.constant 0 : index
    %get3A_20 = arith.constant 0 : index
    %get3A_21 = vector.load %arg6[%get3A_19, %get3A_20] : memref<1x128xf32, #tpu.memory_space<vmem>>, vector<1x128xf32>
    %add3A_22 = vector.broadcast %get3A_21 : vector<1x128xf32> to vector<2000x128xf32>
    %add3A_23 = arith.addf %add3A_18, %add3A_22 : vector<2000x128xf32>
    %get3A_24 = arith.constant 0 : index
    %get3A_25 = arith.constant 0 : index
    %get3A_26 = vector.load %arg3[%get3A_24, %get3A_25] : memref<2000x16xf32, #tpu.memory_space<vmem>>, vector<2000x16xf32>
    %get3A_27 = arith.constant 0 : index
    %get3A_28 = arith.constant 0 : index
    %get3A_29 = vector.load %arg4[%get3A_27, %get3A_28] : memref<16x128xf32, #tpu.memory_space<vmem>>, vector<16x128xf32>
    %dot_general3A = arith.constant dense<0.000000e+00> : vector<2000x128xf32>
    %dot_general3A_30 = tpu.matmul %get3A_26, %get3A_29, %dot_general3A {dimension_numbers = #tpu.dot_dimension_numbers<[1], [0], [0], [1], [0, 0, 1, 1], [], []>, transpose_lhs_hint = false} : vector<2000x16xf32>, vector<16x128xf32>, vector<2000x128xf32> -> vector<2000x128xf32>
    %add3A_31 = arith.addf %add3A_23, %dot_general3A_30 : vector<2000x128xf32>
    %logistic3A = arith.negf %add3A_31 : vector<2000x128xf32>
    %logistic3A_32 = math.exp %logistic3A : vector<2000x128xf32>
    %logistic3A_33 = arith.constant 1.000000e+00 : f32
    %logistic3A_34 = vector.broadcast %logistic3A_33 : f32 to vector<2000x128xf32>
    %logistic3A_35 = arith.addf %logistic3A_34, %logistic3A_32 : vector<2000x128xf32>
    %logistic3A_36 = arith.divf %logistic3A_34, %logistic3A_35 : vector<2000x128xf32>
    %mul3A_37 = arith.mulf %add3A_31, %logistic3A_36 : vector<2000x128xf32>
    %get3A_38 = arith.constant 0 : index
    %get3A_39 = arith.constant 0 : index
    %get3A_40 = vector.load %arg7[%get3A_38, %get3A_39] : memref<128x128xf32, #tpu.memory_space<vmem>>, vector<128x128xf32>
    %dot_general3A_41 = arith.constant dense<0.000000e+00> : vector<2000x128xf32>
    %dot_general3A_42 = tpu.matmul %mul3A_37, %get3A_40, %dot_general3A_41 {dimension_numbers = #tpu.dot_dimension_numbers<[1], [0], [0], [1], [0, 0, 1, 1], [], []>, transpose_lhs_hint = false} : vector<2000x128xf32>, vector<128x128xf32>, vector<2000x128xf32> -> vector<2000x128xf32>
    %get3A_43 = arith.constant 0 : index
    %get3A_44 = arith.constant 0 : index
    %get3A_45 = vector.load %arg8[%get3A_43, %get3A_44] : memref<1x128xf32, #tpu.memory_space<vmem>>, vector<1x128xf32>
    %add3A_46 = vector.broadcast %get3A_45 : vector<1x128xf32> to vector<2000x128xf32>
    %add3A_47 = arith.addf %dot_general3A_42, %add3A_46 : vector<2000x128xf32>
    %logistic3A_48 = arith.negf %add3A_47 : vector<2000x128xf32>
    %logistic3A_49 = math.exp %logistic3A_48 : vector<2000x128xf32>
    %logistic3A_50 = arith.constant 1.000000e+00 : f32
    %logistic3A_51 = vector.broadcast %logistic3A_50 : f32 to vector<2000x128xf32>
    %logistic3A_52 = arith.addf %logistic3A_51, %logistic3A_49 : vector<2000x128xf32>
    %logistic3A_53 = arith.divf %logistic3A_51, %logistic3A_52 : vector<2000x128xf32>
    %mul3A_54 = arith.mulf %add3A_47, %logistic3A_53 : vector<2000x128xf32>
    %get3A_55 = arith.constant 0 : index
    %get3A_56 = arith.constant 0 : index
    %get3A_57 = vector.load %arg9[%get3A_55, %get3A_56] : memref<128x128xf32, #tpu.memory_space<vmem>>, vector<128x128xf32>
    %dot_general3A_58 = arith.constant dense<0.000000e+00> : vector<2000x128xf32>
    %dot_general3A_59 = tpu.matmul %mul3A_54, %get3A_57, %dot_general3A_58 {dimension_numbers = #tpu.dot_dimension_numbers<[1], [0], [0], [1], [0, 0, 1, 1], [], []>, transpose_lhs_hint = false} : vector<2000x128xf32>, vector<128x128xf32>, vector<2000x128xf32> -> vector<2000x128xf32>
    %get3A_60 = arith.constant 0 : index
    %get3A_61 = arith.constant 0 : index
    %get3A_62 = vector.load %arg10[%get3A_60, %get3A_61] : memref<1x128xf32, #tpu.memory_space<vmem>>, vector<1x128xf32>
    %add3A_63 = vector.broadcast %get3A_62 : vector<1x128xf32> to vector<2000x128xf32>
    %add3A_64 = arith.addf %dot_general3A_59, %add3A_63 : vector<2000x128xf32>
    %logistic3A_65 = arith.negf %add3A_64 : vector<2000x128xf32>
    %logistic3A_66 = math.exp %logistic3A_65 : vector<2000x128xf32>
    %logistic3A_67 = arith.constant 1.000000e+00 : f32
    %logistic3A_68 = vector.broadcast %logistic3A_67 : f32 to vector<2000x128xf32>
    %logistic3A_69 = arith.addf %logistic3A_68, %logistic3A_66 : vector<2000x128xf32>
    %logistic3A_70 = arith.divf %logistic3A_68, %logistic3A_69 : vector<2000x128xf32>
    %mul3A_71 = arith.mulf %add3A_64, %logistic3A_70 : vector<2000x128xf32>
    %get3A_72 = arith.constant 0 : index
    %get3A_73 = arith.constant 0 : index
    %get3A_74 = vector.load %arg11[%get3A_72, %get3A_73] : memref<128x8xf32, #tpu.memory_space<vmem>>, vector<128x8xf32>
    %dot_general3A_75 = arith.constant dense<0.000000e+00> : vector<2000x8xf32>
    %dot_general3A_76 = tpu.matmul %mul3A_71, %get3A_74, %dot_general3A_75 {dimension_numbers = #tpu.dot_dimension_numbers<[1], [0], [0], [1], [0, 0, 1, 1], [], []>, transpose_lhs_hint = false} : vector<2000x128xf32>, vector<128x8xf32>, vector<2000x8xf32> -> vector<2000x8xf32>
    %slice3A_77 = vector.extract_strided_slice %dot_general3A_76 {offsets = [0, 0], sizes = [2000, 1], strides = [1, 1]} : vector<2000x8xf32> to vector<2000x1xf32>
    %swap3A = arith.constant 0 : index
    %swap3A_78 = arith.constant 0 : index
    %swap3A_79 = vector.load %arg12[%swap3A, %swap3A_78] : memref<2000x144xf32, #tpu.memory_space<vmem>>, vector<2000x128xf32>
    tpu.vector_store %arg12[%swap3A, %swap3A_78], %mul3A_54 {strides = array<i32>} : memref<2000x144xf32, #tpu.memory_space<vmem>>, vector<2000x128xf32>,
    %mul3A_80 = vector.broadcast %slice3A_77 : vector<2000x1xf32> to vector<2000x16xf32>
    %mul3A_81 = arith.mulf %add3A_8, %mul3A_80 : vector<2000x16xf32>
    %swap3A_82 = arith.constant 0 : index
    %swap3A_83 = arith.constant 128 : index
    %swap3A_84 = vector.load %arg12[%swap3A_82, %swap3A_83] : memref<2000x144xf32, #tpu.memory_space<vmem>>, vector<2000x16xf32>
    tpu.vector_store %arg12[%swap3A_82, %swap3A_83], %mul3A_81 {strides = array<i32>} : memref<2000x144xf32, #tpu.memory_space<vmem>>, vector<2000x16xf32>,
    return
  }
  func.func @transform_0(%arg0: i32) -> (i32, i32) {
    %c0_i32 = arith.constant 0 : i32
    %c0_i32_0 = arith.constant 0 : i32
    return %arg0, %c0_i32 : i32, i32
  }
  func.func @transform_1(%arg0: i32) -> (i32, i32) {
    %c0_i32 = arith.constant 0 : i32
    %c0_i32_0 = arith.constant 0 : i32
    return %arg0, %c0_i32 : i32, i32
  }
  func.func @transform_2(%arg0: i32) -> (i32, i32) {
    %c0_i32 = arith.constant 0 : i32
    %c0_i32_0 = arith.constant 0 : i32
    return %arg0, %c0_i32 : i32, i32
  }
  func.func @transform_3(%arg0: i32) -> (i32, i32) {
    %c0_i32 = arith.constant 0 : i32
    %c0_i32_0 = arith.constant 0 : i32
    %c0_i32_1 = arith.constant 0 : i32
    return %c0_i32, %c0_i32_0 : i32, i32
  }
  func.func @transform_4(%arg0: i32) -> (i32, i32) {
    %c0_i32 = arith.constant 0 : i32
    %c0_i32_0 = arith.constant 0 : i32
    %c0_i32_1 = arith.constant 0 : i32
    return %c0_i32, %c0_i32_0 : i32, i32
  }
  func.func @transform_5(%arg0: i32) -> (i32, i32) {
    %c0_i32 = arith.constant 0 : i32
    %c0_i32_0 = arith.constant 0 : i32
    %c0_i32_1 = arith.constant 0 : i32
    return %c0_i32, %c0_i32_0 : i32, i32
  }
  func.func @transform_6(%arg0: i32) -> (i32, i32) {
    %c0_i32 = arith.constant 0 : i32
    %c0_i32_0 = arith.constant 0 : i32
    %c0_i32_1 = arith.constant 0 : i32
    return %c0_i32, %c0_i32_0 : i32, i32
  }
  func.func @transform_7(%arg0: i32) -> (i32, i32) {
    %c0_i32 = arith.constant 0 : i32
    %c0_i32_0 = arith.constant 0 : i32
    %c0_i32_1 = arith.constant 0 : i32
    return %c0_i32, %c0_i32_0 : i32, i32
  }
  func.func @transform_8(%arg0: i32) -> (i32, i32) {
    %c0_i32 = arith.constant 0 : i32
    %c0_i32_0 = arith.constant 0 : i32
    %c0_i32_1 = arith.constant 0 : i32
    return %c0_i32, %c0_i32_0 : i32, i32
  }
  func.func @transform_9(%arg0: i32) -> (i32, i32) {
    %c0_i32 = arith.constant 0 : i32
    %c0_i32_0 = arith.constant 0 : i32
    %c0_i32_1 = arith.constant 0 : i32
    return %c0_i32, %c0_i32_0 : i32, i32
  }
  func.func @transform_10(%arg0: i32) -> (i32, i32) {
    %c0_i32 = arith.constant 0 : i32
    %c0_i32_0 = arith.constant 0 : i32
    %c0_i32_1 = arith.constant 0 : i32
    return %c0_i32, %c0_i32_0 : i32, i32
  }
  func.func @transform_11(%arg0: i32) -> (i32, i32) {
    %c0_i32 = arith.constant 0 : i32
    %c0_i32_0 = arith.constant 0 : i32
    return %arg0, %c0_i32 : i32, i32
  }
}

module attributes {stable_mosaic.version = 14 : i64} {
  func.func @_node_body(%arg0: i32, %arg1: memref<1000x128xf32, #tpu.memory_space<vmem>>, %arg2: memref<1000x16xf32, #tpu.memory_space<vmem>>, %arg3: memref<1000x144xf32, #tpu.memory_space<vmem>>, %arg4: memref<1000x144xf32, #tpu.memory_space<vmem>>, %arg5: memref<128x128xf32, #tpu.memory_space<vmem>>, %arg6: memref<128x128xf32, #tpu.memory_space<vmem>>, %arg7: memref<1x128xf32, #tpu.memory_space<vmem>>, %arg8: memref<128x128xf32, #tpu.memory_space<vmem>>, %arg9: memref<1x128xf32, #tpu.memory_space<vmem>>, %arg10: memref<1x128xf32, #tpu.memory_space<vmem>>, %arg11: memref<1x128xf32, #tpu.memory_space<vmem>>, %arg12: memref<1000x128xf32, #tpu.memory_space<vmem>>, %arg13: memref<1000x16xf32, #tpu.memory_space<vmem>>) attributes {dimension_semantics = [#tpu.dimension_semantics<arbitrary>], iteration_bounds = array<i64: 10>, scalar_prefetch = 0 : i64, scratch_operands = 0 : i64, tpu.core_type = #tpu.core_type<tc>, window_params = [{transform_indices = @transform_0, window_bounds = array<i64: 1000, 128>}, {transform_indices = @transform_1, window_bounds = array<i64: 1000, 16>}, {transform_indices = @transform_2, window_bounds = array<i64: 1000, 144>}, {transform_indices = @transform_3, window_bounds = array<i64: 1000, 144>}, {pipeline_mode = #tpu.pipeline_mode<synchronous>, transform_indices = @transform_4, window_bounds = array<i64: 128, 128>}, {pipeline_mode = #tpu.pipeline_mode<synchronous>, transform_indices = @transform_5, window_bounds = array<i64: 128, 128>}, {pipeline_mode = #tpu.pipeline_mode<synchronous>, transform_indices = @transform_6, window_bounds = array<i64: 1, 128>}, {pipeline_mode = #tpu.pipeline_mode<synchronous>, transform_indices = @transform_7, window_bounds = array<i64: 128, 128>}, {pipeline_mode = #tpu.pipeline_mode<synchronous>, transform_indices = @transform_8, window_bounds = array<i64: 1, 128>}, {pipeline_mode = #tpu.pipeline_mode<synchronous>, transform_indices = @transform_9, window_bounds = array<i64: 1, 128>}, {pipeline_mode = #tpu.pipeline_mode<synchronous>, transform_indices = @transform_10, window_bounds = array<i64: 1, 128>}, {transform_indices = @transform_11, window_bounds = array<i64: 1000, 128>}, {transform_indices = @transform_12, window_bounds = array<i64: 1000, 16>}]} {
    %get3A = arith.constant 0 : index
    %get3A_0 = arith.constant 0 : index
    %get3A_1 = vector.load %arg1[%get3A, %get3A_0] : memref<1000x128xf32, #tpu.memory_space<vmem>>, vector<1000x128xf32>
    %get3A_2 = arith.constant 0 : index
    %get3A_3 = arith.constant 0 : index
    %get3A_4 = vector.load %arg3[%get3A_2, %get3A_3] : memref<1000x144xf32, #tpu.memory_space<vmem>>, vector<1000x144xf32>
    %get3A_5 = arith.constant 0 : index
    %get3A_6 = arith.constant 0 : index
    %get3A_7 = vector.load %arg4[%get3A_5, %get3A_6] : memref<1000x144xf32, #tpu.memory_space<vmem>>, vector<1000x144xf32>
    %add3A = arith.addf %get3A_4, %get3A_7 : vector<1000x144xf32>
    %slice3A = vector.extract_strided_slice %add3A {offsets = [0, 0], sizes = [1000, 128], strides = [1, 1]} : vector<1000x144xf32> to vector<1000x128xf32>
    %slice3A_8 = vector.extract_strided_slice %add3A {offsets = [0, 128], sizes = [1000, 16], strides = [1, 1]} : vector<1000x144xf32> to vector<1000x16xf32>
    %get3A_9 = arith.constant 0 : index
    %get3A_10 = arith.constant 0 : index
    %get3A_11 = vector.load %arg5[%get3A_9, %get3A_10] : memref<128x128xf32, #tpu.memory_space<vmem>>, vector<128x128xf32>
    %dot_general3A = arith.constant dense<0.000000e+00> : vector<1000x128xf32>
    %dot_general3A_12 = tpu.matmul %get3A_1, %get3A_11, %dot_general3A {dimension_numbers = #tpu.dot_dimension_numbers<[1], [0], [0], [1], [0, 0, 1, 1], [], []>, transpose_lhs_hint = false} : vector<1000x128xf32>, vector<128x128xf32>, vector<1000x128xf32> -> vector<1000x128xf32>
    %get3A_13 = arith.constant 0 : index
    %get3A_14 = arith.constant 0 : index
    %get3A_15 = vector.load %arg6[%get3A_13, %get3A_14] : memref<128x128xf32, #tpu.memory_space<vmem>>, vector<128x128xf32>
    %dot_general3A_16 = arith.constant dense<0.000000e+00> : vector<1000x128xf32>
    %dot_general3A_17 = tpu.matmul %slice3A, %get3A_15, %dot_general3A_16 {dimension_numbers = #tpu.dot_dimension_numbers<[1], [0], [0], [1], [0, 0, 1, 1], [], []>, transpose_lhs_hint = false} : vector<1000x128xf32>, vector<128x128xf32>, vector<1000x128xf32> -> vector<1000x128xf32>
    %add3A_18 = arith.addf %dot_general3A_12, %dot_general3A_17 : vector<1000x128xf32>
    %get3A_19 = arith.constant 0 : index
    %get3A_20 = arith.constant 0 : index
    %get3A_21 = vector.load %arg7[%get3A_19, %get3A_20] : memref<1x128xf32, #tpu.memory_space<vmem>>, vector<1x128xf32>
    %add3A_22 = vector.broadcast %get3A_21 : vector<1x128xf32> to vector<1000x128xf32>
    %add3A_23 = arith.addf %add3A_18, %add3A_22 : vector<1000x128xf32>
    %logistic3A = arith.negf %add3A_23 : vector<1000x128xf32>
    %logistic3A_24 = math.exp %logistic3A : vector<1000x128xf32>
    %logistic3A_25 = arith.constant 1.000000e+00 : f32
    %logistic3A_26 = vector.broadcast %logistic3A_25 : f32 to vector<1000x128xf32>
    %logistic3A_27 = arith.addf %logistic3A_26, %logistic3A_24 : vector<1000x128xf32>
    %logistic3A_28 = arith.divf %logistic3A_26, %logistic3A_27 : vector<1000x128xf32>
    %mul3A = arith.mulf %add3A_23, %logistic3A_28 : vector<1000x128xf32>
    %get3A_29 = arith.constant 0 : index
    %get3A_30 = arith.constant 0 : index
    %get3A_31 = vector.load %arg8[%get3A_29, %get3A_30] : memref<128x128xf32, #tpu.memory_space<vmem>>, vector<128x128xf32>
    %dot_general3A_32 = arith.constant dense<0.000000e+00> : vector<1000x128xf32>
    %dot_general3A_33 = tpu.matmul %mul3A, %get3A_31, %dot_general3A_32 {dimension_numbers = #tpu.dot_dimension_numbers<[1], [0], [0], [1], [0, 0, 1, 1], [], []>, transpose_lhs_hint = false} : vector<1000x128xf32>, vector<128x128xf32>, vector<1000x128xf32> -> vector<1000x128xf32>
    %get3A_34 = arith.constant 0 : index
    %get3A_35 = arith.constant 0 : index
    %get3A_36 = vector.load %arg9[%get3A_34, %get3A_35] : memref<1x128xf32, #tpu.memory_space<vmem>>, vector<1x128xf32>
    %add3A_37 = vector.broadcast %get3A_36 : vector<1x128xf32> to vector<1000x128xf32>
    %add3A_38 = arith.addf %dot_general3A_33, %add3A_37 : vector<1000x128xf32>
    %add3A_39 = arith.addf %get3A_1, %add3A_38 : vector<1000x128xf32>
    %reduce_sum3A = arith.constant dense<0.000000e+00> : vector<1000xf32>
    %reduce_sum3A_40 = vector.multi_reduction <add>, %add3A_39, %reduce_sum3A [1] : vector<1000x128xf32> to vector<1000xf32>
    %broadcast_in_dim3A = vector.shape_cast %reduce_sum3A_40 : vector<1000xf32> to vector<1000x1xf32>
    %div3A = arith.constant 1.280000e+02 : f32
    %div3A_41 = vector.broadcast %div3A : f32 to vector<1000x1xf32>
    %div3A_42 = arith.divf %broadcast_in_dim3A, %div3A_41 : vector<1000x1xf32>
    %sub3A = vector.broadcast %div3A_42 : vector<1000x1xf32> to vector<1000x128xf32>
    %sub3A_43 = arith.subf %add3A_39, %sub3A : vector<1000x128xf32>
    %sub3A_44 = vector.broadcast %div3A_42 : vector<1000x1xf32> to vector<1000x128xf32>
    %sub3A_45 = arith.subf %add3A_39, %sub3A_44 : vector<1000x128xf32>
    %mul3A_46 = arith.mulf %sub3A_43, %sub3A_45 : vector<1000x128xf32>
    %reduce_sum3A_47 = arith.constant dense<0.000000e+00> : vector<1000xf32>
    %reduce_sum3A_48 = vector.multi_reduction <add>, %mul3A_46, %reduce_sum3A_47 [1] : vector<1000x128xf32> to vector<1000xf32>
    %broadcast_in_dim3A_49 = vector.shape_cast %reduce_sum3A_48 : vector<1000xf32> to vector<1000x1xf32>
    %div3A_50 = arith.constant 1.280000e+02 : f32
    %div3A_51 = vector.broadcast %div3A_50 : f32 to vector<1000x1xf32>
    %div3A_52 = arith.divf %broadcast_in_dim3A_49, %div3A_51 : vector<1000x1xf32>
    %sub3A_53 = vector.broadcast %div3A_42 : vector<1000x1xf32> to vector<1000x128xf32>
    %sub3A_54 = arith.subf %add3A_39, %sub3A_53 : vector<1000x128xf32>
    %add3A_55 = arith.constant 9.99999974E-6 : f32
    %add3A_56 = vector.broadcast %add3A_55 : f32 to vector<1000x1xf32>
    %add3A_57 = arith.addf %div3A_52, %add3A_56 : vector<1000x1xf32>
    %rsqrt3A = math.rsqrt %add3A_57 : vector<1000x1xf32>
    %mul3A_58 = vector.broadcast %rsqrt3A : vector<1000x1xf32> to vector<1000x128xf32>
    %mul3A_59 = arith.mulf %sub3A_54, %mul3A_58 : vector<1000x128xf32>
    %get3A_60 = arith.constant 0 : index
    %get3A_61 = arith.constant 0 : index
    %get3A_62 = vector.load %arg10[%get3A_60, %get3A_61] : memref<1x128xf32, #tpu.memory_space<vmem>>, vector<1x128xf32>
    %mul3A_63 = vector.broadcast %get3A_62 : vector<1x128xf32> to vector<1000x128xf32>
    %mul3A_64 = arith.mulf %mul3A_59, %mul3A_63 : vector<1000x128xf32>
    %get3A_65 = arith.constant 0 : index
    %get3A_66 = arith.constant 0 : index
    %get3A_67 = vector.load %arg11[%get3A_65, %get3A_66] : memref<1x128xf32, #tpu.memory_space<vmem>>, vector<1x128xf32>
    %add3A_68 = vector.broadcast %get3A_67 : vector<1x128xf32> to vector<1000x128xf32>
    %add3A_69 = arith.addf %mul3A_64, %add3A_68 : vector<1000x128xf32>
    %swap3A = arith.constant 0 : index
    %swap3A_70 = arith.constant 0 : index
    %swap3A_71 = vector.load %arg12[%swap3A, %swap3A_70] : memref<1000x128xf32, #tpu.memory_space<vmem>>, vector<1000x128xf32>
    tpu.vector_store %arg12[%swap3A, %swap3A_70], %add3A_69 {strides = array<i32>} : memref<1000x128xf32, #tpu.memory_space<vmem>>, vector<1000x128xf32>,
    %get3A_72 = arith.constant 0 : index
    %get3A_73 = arith.constant 0 : index
    %get3A_74 = vector.load %arg2[%get3A_72, %get3A_73] : memref<1000x16xf32, #tpu.memory_space<vmem>>, vector<1000x16xf32>
    %add3A_75 = arith.addf %get3A_74, %slice3A_8 : vector<1000x16xf32>
    %swap3A_76 = arith.constant 0 : index
    %swap3A_77 = arith.constant 0 : index
    %swap3A_78 = vector.load %arg13[%swap3A_76, %swap3A_77] : memref<1000x16xf32, #tpu.memory_space<vmem>>, vector<1000x16xf32>
    tpu.vector_store %arg13[%swap3A_76, %swap3A_77], %add3A_75 {strides = array<i32>} : memref<1000x16xf32, #tpu.memory_space<vmem>>, vector<1000x16xf32>,
    return
  }
  func.func @transform_0(%arg0: i32) -> (i32, i32) {
    %c0_i32 = arith.constant 0 : i32
    %c0_i32_0 = arith.constant 0 : i32
    return %arg0, %c0_i32 : i32, i32
  }
  func.func @transform_1(%arg0: i32) -> (i32, i32) {
    %c0_i32 = arith.constant 0 : i32
    %c0_i32_0 = arith.constant 0 : i32
    return %arg0, %c0_i32 : i32, i32
  }
  func.func @transform_2(%arg0: i32) -> (i32, i32) {
    %c0_i32 = arith.constant 0 : i32
    %c0_i32_0 = arith.constant 0 : i32
    return %arg0, %c0_i32 : i32, i32
  }
  func.func @transform_3(%arg0: i32) -> (i32, i32) {
    %c0_i32 = arith.constant 0 : i32
    %c0_i32_0 = arith.constant 0 : i32
    return %arg0, %c0_i32 : i32, i32
  }
  func.func @transform_4(%arg0: i32) -> (i32, i32) {
    %c0_i32 = arith.constant 0 : i32
    %c0_i32_0 = arith.constant 0 : i32
    %c0_i32_1 = arith.constant 0 : i32
    return %c0_i32, %c0_i32_0 : i32, i32
  }
  func.func @transform_5(%arg0: i32) -> (i32, i32) {
    %c0_i32 = arith.constant 0 : i32
    %c0_i32_0 = arith.constant 0 : i32
    %c0_i32_1 = arith.constant 0 : i32
    return %c0_i32, %c0_i32_0 : i32, i32
  }
  func.func @transform_6(%arg0: i32) -> (i32, i32) {
    %c0_i32 = arith.constant 0 : i32
    %c0_i32_0 = arith.constant 0 : i32
    %c0_i32_1 = arith.constant 0 : i32
    return %c0_i32, %c0_i32_0 : i32, i32
  }
  func.func @transform_7(%arg0: i32) -> (i32, i32) {
    %c0_i32 = arith.constant 0 : i32
    %c0_i32_0 = arith.constant 0 : i32
    %c0_i32_1 = arith.constant 0 : i32
    return %c0_i32, %c0_i32_0 : i32, i32
  }
  func.func @transform_8(%arg0: i32) -> (i32, i32) {
    %c0_i32 = arith.constant 0 : i32
    %c0_i32_0 = arith.constant 0 : i32
    %c0_i32_1 = arith.constant 0 : i32
    return %c0_i32, %c0_i32_0 : i32, i32
  }
  func.func @transform_9(%arg0: i32) -> (i32, i32) {
    %c0_i32 = arith.constant 0 : i32
    %c0_i32_0 = arith.constant 0 : i32
    %c0_i32_1 = arith.constant 0 : i32
    return %c0_i32, %c0_i32_0 : i32, i32
  }
  func.func @transform_10(%arg0: i32) -> (i32, i32) {
    %c0_i32 = arith.constant 0 : i32
    %c0_i32_0 = arith.constant 0 : i32
    %c0_i32_1 = arith.constant 0 : i32
    return %c0_i32, %c0_i32_0 : i32, i32
  }
  func.func @transform_11(%arg0: i32) -> (i32, i32) {
    %c0_i32 = arith.constant 0 : i32
    %c0_i32_0 = arith.constant 0 : i32
    return %arg0, %c0_i32 : i32, i32
  }
  func.func @transform_12(%arg0: i32) -> (i32, i32) {
    %c0_i32 = arith.constant 0 : i32
    %c0_i32_0 = arith.constant 0 : i32
    return %arg0, %c0_i32 : i32, i32
  }
}

</mosaic_0001>

<sc_bundles>
// kernel: kernel.10.cloned.1.call-start
scs
__scs_entry_jumppad:
0x0: {  	(pc) =	sbr.rel $0x88, $3  }
0x1: {  	(tag) =	ssettag $0x0;
	lr =	simm.s32 $0x1  }
0x2: {  	[smem:$0x3F90] =	sst lr;
	_ =	strace $0xD0000000  }
0x3: {  	_ = 	snop  }
0x4: {  	_ = 	snop  }
0x5: {  	_ = 	snop  }
0x6: {  	_ = 	snop  }
0x7: {  	_ = 	snop  }
__scs_overlays_trampoline_lowered:
0x8: {  	[smem:$0x3F9F] =	sst s0  }
0x9: {  	[smem:$0x3FA0] =	sst s1  }
0xa: {  	[smem:$0x3FA1] =	sst s2  }
0xb: {  	[smem:$0x3FA2] =	sst s3  }
0xc: {  	[smem:$0x3FA3] =	sst s4  }
0xd: {  	[smem:$0x3FA4] =	sst s5  }
0xe: {  	[smem:$0x3FA5] =	sst s6  }
0xf: {  	[smem:$0x3FA6] =	sst s7  }
0x10: {  	[smem:$0x3FA7] =	sst s8  }
0x11: {  	[smem:$0x3FA8] =	sst s9;
	s0 =	simm.s32 @!p0 $0x0  }
0x12: {  	s1 =	sld [smem:$0x3F8E];
	s0 =	simm.s32 @p0 $0x1  }
0x13: {  	[smem:$0x3FA9] =	sst s0;
	s0 =	simm.s32 @!p1 $0x0  }
0x14: {  	s2 =	sld [smem:$0x3F8D];
	s0 =	simm.s32 @p1 $0x1  }
0x15: {  	[smem:$0x3FAA] =	sst s0;
	s0 =	simm.s32 @!p2 $0x0  }
0x16: {  	s3 =	sld [smem:$0x3FDB];
	s0 =	simm.s32 @p2 $0x1  }
0x17: {  	s4 =	simm.s32 $0x1BF5;
	[smem:$0x3FAC] =	sst s0  }
0x18: {  	s0 =	sld [smem:$0x3F8F];
	_ =	swait.ge [sflag:s4], $0x0  }
0x19: {  	s7 =	sld [smem:$0x3F90]  }
0x1a: {  	s8 =	sadd.s32 $0xFFFFE003, lr  }
0x1b: {  	s9 =	sadd.s32 $0xFFFFFEF7, lr;
	s5 =	simm.s32 $0xFFFFFFFF;
	p2 =	slt.u32 s8, $0xFFFFF086  }
0x1c: {  	p1 =	slt.u32 s9, $0xF7A;
	s5 =	simm.s32 @!p2 $0x0  }
0x1d: {  	s5 =	simm.s32 @p1 $0x1;
	p0 =	seq.s32 s7, s2  }
0x1e: {  	s7 =	smul.u32 @!p0 $0xF7A, s2;
	p2 =	seq.s32 @!p0 s5, $0x0  }
0x1f: {  	s9 =	smul.u32 $0xF7A, s1;
	s8 =	simm.s32 @!p0 $0x1BF5;
	p2 =	por !p2, p0  }
0x20: {  	[sflag:s8] =	ssyncset.s32 @!p0 $0xFFFFF086;
	s6 =	sadd.s32 @!p0 s3, s7;
	s7 =	simm.s32 @!p0 $0x108  }
0x21: {  	s3 =	sadd.s32 s3, s9;
	s6 =	sadd.s32 @!p0 $0x88, s6;
	s7 =	simm.s32 @p2 $0x1082  }
0x22: {  	[simem:s7], [sflag:s8] =	dma.local @!p0 [hbm:s6], $0xF7A  }
0x23: {  	s9 =	sor.u32 $0xD0000000, s2;
	s6 =	simm.s32 $0x108;
	_ =	swait.ge @!p0 [sflag:s8], $0x0  }
0x24: {  	s3 =	sadd.s32 $0x88, s3;
	s6 =	simm.s32 @!p1 $0x1082;
	[sflag:s4] =	ssyncset.s32 $0xFFFFF086  }
0x25: {  	[simem:s6], [sflag:s4] =	dma.local [hbm:s3], $0xF7A  }
0x26: {  	[smem:$0x3F90] =	sst s1;
	(tag) =	ssettag s2;
	_ =	strace s9  }
0x27: {  	s1 =	sld [smem:$0x3FA0]  }
0x28: {  	s2 =	sld [smem:$0x3FA1]  }
0x29: {  	s4 =	sld [smem:$0x3FA3]  }
0x2a: {  	p0 =	seq.s32 s5, $0x0;
	s5 =	sld [smem:$0x3FA4]  }
0x2b: {  	s6 =	sld [smem:$0x3FA5]  }
0x2c: {  	s7 =	sld [smem:$0x3FA6]  }
0x2d: {  	s3 =	simm.s32 $0x108;
	s8 =	sld [smem:$0x3FA7]  }
0x2e: {  	s3 =	simm.s32 @!p0 $0x1082;
	s9 =	sld [smem:$0x3FA8]  }
0x2f: {  	lr =	sadd.s32 s0, s3;
	s0 =	sld [smem:$0x3F9F]  }
0x30: {  	s3 =	sld [smem:$0x3FA2]  }
0x31: {  	[smem:$0x3FAB] =	sst s10  }
0x32: {  	s10 =	sld [smem:$0x3FA9];
	_ =	sdelay $0x3  }
0x33: {  	p0 =	seq.s32 s10, $0x1;
	s10 =	sld [smem:$0x3FAB];
	_ =	sdelay $0x3  }
0x34: {  	[smem:$0x3FAB] =	sst s10  }
0x35: {  	s10 =	sld [smem:$0x3FAA];
	_ =	sdelay $0x3  }
0x36: {  	p1 =	seq.s32 s10, $0x1;
	s10 =	sld [smem:$0x3FAB];
	_ =	sdelay $0x3  }
0x37: {  	[smem:$0x3FAB] =	sst s10  }
0x38: {  	s10 =	sld [smem:$0x3FAC]  }
0x39: {  	_ = 	snop;
	(pc) =	sbr.ind lr, $3  }
0x3a: {  	_ = 	snop  }
0x3b: {  	_ = 	snop  }
0x3c: {  	p2 =	seq.s32 s10, $0x1;
	s10 =	sld [smem:$0x3FAB]  }
0x3d: {  	_ =	shalt  }
0x3e: {  	_ =	shalt  }
0x3f: {  	_ =	shalt  }
0x40: {  	_ =	shalt  }
0x41: {  	_ =	shalt  }
0x42: {  	_ =	shalt  }
0x43: {  	_ =	shalt  }
0x44: {  	_ =	shalt  }
0x45: {  	_ =	shalt  }
0x46: {  	_ =	shalt  }
0x47: {  	_ =	shalt  }
0x48: {  	_ =	shalt  }
0x49: {  	_ =	shalt  }
0x4a: {  	_ =	shalt  }
0x4b: {  	_ =	shalt  }
0x4c: {  	_ =	shalt  }
0x4d: {  	_ =	shalt  }
0x4e: {  	_ =	shalt  }
0x4f: {  	_ =	shalt  }
0x50: {  	_ =	shalt  }
0x51: {  	_ =	shalt  }
0x52: {  	_ =	shalt  }
0x53: {  	_ =	shalt  }
0x54: {  	_ =	shalt  }
0x55: {  	_ =	shalt  }
0x56: {  	_ =	shalt  }
0x57: {  	_ =	shalt  }
0x58: {  	_ =	shalt  }
0x59: {  	_ =	shalt  }
0x5a: {  	_ =	shalt  }
0x5b: {  	_ =	shalt  }
0x5c: {  	_ =	shalt  }
0x5d: {  	_ =	shalt  }
0x5e: {  	_ =	shalt  }
0x5f: {  	_ =	shalt  }
0x60: {  	_ =	shalt  }
0x61: {  	_ =	shalt  }
0x62: {  	_ =	shalt  }
0x63: {  	_ =	shalt  }
0x64: {  	_ =	shalt  }
0x65: {  	_ =	shalt  }
0x66: {  	_ =	shalt  }
0x67: {  	_ =	shalt  }
0x68: {  	_ =	shalt  }
0x69: {  	_ =	shalt  }
0x6a: {  	_ =	shalt  }
0x6b: {  	_ =	shalt  }
0x6c: {  	_ =	shalt  }
0x6d: {  	_ =	shalt  }
0x6e: {  	_ =	shalt  }
0x6f: {  	_ =	shalt  }
0x70: {  	_ =	shalt  }
0x71: {  	_ =	shalt  }
0x72: {  	_ =	shalt  }
0x73: {  	_ =	shalt  }
0x74: {  	_ =	shalt  }
0x75: {  	_ =	shalt  }
0x76: {  	_ =	shalt  }
0x77: {  	_ =	shalt  }
0x78: {  	_ =	shalt  }
0x79: {  	_ =	shalt  }
0x7a: {  	_ =	shalt  }
0x7b: {  	_ =	shalt  }
0x7c: {  	_ =	shalt  }
0x7d: {  	_ =	shalt  }
0x7e: {  	_ =	shalt  }
0x7f: {  	_ =	shalt  }
0x80: {  	_ =	shalt  }
0x81: {  	_ =	shalt  }
0x82: {  	_ =	shalt  }
0x83: {  	_ =	shalt  }
0x84: {  	_ =	shalt  }
0x85: {  	_ =	shalt  }
0x86: {  	_ =	shalt  }
0x87: {  	_ =	shalt  }
.Lfunc_end0:
.L_simem_size_0:
called_computation.1_lowered:
.L_overlay_start_0:
0x88: {  	s2 =	sld [smem:$0x3FD9]  }
0x89: {  	s3 =	sld [smem:$0x3FFE];
	_ =	sdelay $0x1  }
0x8a: {  	s1 =	srdreg.scid  }
0x8b: {  	s0 =	sand.u32 $0x1, s1  }
0x8c: {  	s14 =	sshll.u32 s0, $0xA;
	s2 =	sadd.s32 s3, s2  }
0x8d: {  	s2 =	sadd.s32 s2, s14  }
0x8e: {  	[smem:$0x3FB7] =	sst s2  }
0x8f: {  	_ = 	snop  }
0x90: {  	s2 =	sld [smem:$0x3FD0];
	_ =	sdelay $0x2  }
0x91: {  	s15 =	simm.s32 $0xA;
	s4 =	simm.s32 $0x10  }
0x92: {  	[smem:s4], [sflag:s15] =	dma.local [hbm:s2], $0x1  }
0x93: {  	_ =	swait.eq [sflag:s15], $0x1  }
0x94: {  	[sflag:s15] =	ssyncset.done $0x0  }
0x95: {  	[sflag:s15] =	ssyncadd.s32 $0xFFFFFFFF  }
0x96: {  	s16 =	sld [smem:$0x11];
	(tm) =	ssettm $0x1  }
0x97: {  	s17 =	sld [smem:$0x3FFB];
	_ =	sdelay $0x3  }
0x98: {  	_ =	strace s17  }
0x99: {  	s3 =	sld [smem:$0x3FFC];
	_ =	sdelay $0x3  }
0x9a: {  	_ =	strace s3  }
0x9b: {  	s3 =	sld [smem:$0x3FFD];
	_ =	sdelay $0x3  }
0x9c: {  	_ =	strace s3  }
0x9d: {  	_ =	strace $0x8FFFFFFF  }
0x9e: {  	s18 =	sld [smem:$0x3FDB];
	_ =	sdelay $0x1  }
0x9f: {  	s19 =	simm.s32 $_scs_section_size  }
0xa0: {  	s5 =	simm.s32 $_size__tile_overlayer_lowered;
	s6 =	simm.s32 $_tile_overlayer_lowered  }
0xa1: {  	s22 =	simm.s32 $0x1BFF;
	s21 =	sshll.u32 s6, $0x1;
	s3 =	sadd.s32 s19, s18  }
0xa2: {  	s7 =	simm.s32 $0x0;
	s20 =	sshll.u32 s5, $0x1;
	s5 =	sadd.s32 s21, s3  }
0xa3: {  	[timem:s7], [sflag:s22] =	dma.local [hbm:s5], s20  }
0xa4: {  	_ =	swait.ge [sflag:s22], s20  }
0xa5: {  	s4 =	ssub.s32 $0x0, s20;
	[sflag:s22] =	ssyncset.done $0x0  }
0xa6: {  	[sflag:s22] =	ssyncadd.s32 s4;
	_ =	sdelay $0x1  }
0xa7: {  	s23 =	simm.s32 $0x1B8B  }
0xa8: {  	_ =	swait.ge [sflag:s23], $0x1  }
0xa9: {  	[sflag:s23] =	ssyncset.done $0x0  }
0xaa: {  	s25 =	simm.s32 $0x1B8E;
	s24 =	sld [smem:$0x3FFE];
	[sflag:s23] =	ssyncadd.s32 $0xFFFFFFFF  }
0xab: {  	s26 =	simm.s32 $execute0_lowered;
	[smem:$0x3FD2] =	sst s25  }
0xac: {  	s5 =	sshll.u32 s26, $0x1;
	_ =	strace $0x80000049;
	[dreg:$0x1] =	wrdreg $0xFFFFFFFF  }
0xad: {  	s28 =	simm.s32 $_size_execute0_lowered;
	s3 =	sadd.s32 s3, s5;
	[dreg:$0x0] =	wrdreg $0x0  }
0xae: {  	s5 =	sshll.u32 s28, $0x1;
	[dreg:$0x2] =	wrdreg s3  }
0xaf: {  	[dreg:$0x3] =	wrdreg s5  }
0xb0: {  	[dreg:$0x4] =	wrdreg $0xC0  }
0xb1: {  	_ =	task [dreg:s7], $0x5FFFF  }
0xb2: {  	[dreg:$0x1] =	wrdreg $0xFFFFFFFF  }
0xb3: {  	[dreg:$0x0] =	wrdreg $0x60  }
0xb4: {  	[dreg:$0x2] =	wrdreg s24  }
0xb5: {  	[dreg:$0x3] =	wrdreg s16  }
0xb6: {  	[dreg:$0x4] =	wrdreg $0x48800  }
0xb7: {  	[dreg:$0x5] =	wrdreg $0x9  }
0xb8: {  	_ =	task.clear_ibuf [dreg:s7], $0x6FFFF;
	_ =	strace $0x90000049  }
0xb9: {  	s29 =	simm.s32 $0x9;
	_ =	strace $0x8000004B  }
0xba: {  	_ =	swait.ge [sflag:s29], $0x1  }
0xbb: {  	[sflag:s29] =	ssyncadd.s32 $0xFFFFFFFF  }
0xbc: {  	_ =	strace $0x9000004B  }
0xbd: {  	_ =	sfence  }
0xbe: {  	s30 =	sld [smem:$0x0];
	_ =	sdelay $0x2  }
0xbf: {  	s31 =	sshll.u32 s1, $0xD;
	s1 =	sshrl.u32 s1, $0x2  }
0xc0: {  	s3 =	sand.u32 $0x4000, s31;
	s1 =	sadd.s32 s1, s30  }
0xc1: {  	s0 =	sor.u32 s3, s0;
	s1 =	sshll.u32 s1, $0x11  }
0xc2: {  	s0 =	sor.u32 s1, s0  }
0xc3: {  	s0 =	sadd.s32 $0x8F2B, s0  }
0xc4: {  	[sflag:s0] =	ssyncadd.remote.s32 $0x1  }
0xc5: {  	_ =	sfence.sel $0xFFFF  }
0xc6: {  	[dreg:$0x0] =	wrdreg $0xFFFFFFFF;
	(pc) =	sbr.abs _section_cstart, $3  }
0xc7: {  	[dreg:$0x1] =	wrdreg $0xFFFFFFFF  }
0xc8: {  	_ =	task.clear_ibuf [dreg:s7], $0x2FFFF;
	_ =	strace $0x9FFFFFFF  }
0xc9: {  	(tm) =	ssettm $0x7FFFFFFF  }
tec
execute0_lowered:
.L_overlay_start_1:
0x0: {  	(tag) =	ssettag $0x1  }
0x1: {  	s5 =	rddreg [dreg:$0x0]  }
0x2: {  	s2 =	rddreg [dreg:$0x1];
	s1 =	srdreg.scid  }
0x3: {  	s0 =	stileid.u32;
	s3 =	rddreg [dreg:$0x2]  }
0x4: {  	s4 =	simm.s32 $0x0;
	s13 =	simm.s32 $0x1;
	s14 =	simm.s32 $0x4800  }
0x5: {  	s15 =	simm.s32 $0x80;
	s16 =	simm.s32 $0x0;
	s7 =	smul.u32 $0x9000, s0  }
0x6: {  	s6 =	sand.u32 $0x1, s1;
	s1 =	rddreg [dreg:$0x3];
	s10 =	smul.u32 $0x15F00, s0  }
0x7: {  	[smem:$0x7FF] =	sst s4;
	s22 =	sshll.u32 s0, $0x8;
	s30 =	smul.u32 $0x57C00, s0  }
0x8: {  	p0 =	seq.s32 s0, $0xF;
	s31 =	sshll.u32 s0, $0x6;
	s8 =	smul.u32 $0x4800, s6  }
0x9: {  	s9 =	smul.u32 $0x15F900, s6;
	s11 =	sshll.u32 s6, $0x7;
	s6 =	ssub.s32 $0x2, s6  }
0xa: {  	_ =	strace $0x8000004A;
	s28 =	sshrl.u32 s6, $0x1;
	s7 =	sadd.s32 s8, s7  }
0xb: {  	s8 =	sor.u32 s11, s22;
	s9 =	sadd.s32 s10, s9;
	s29 =	ssub.s32 s6, s28  }
0xc: {  	s6 =	simm.s32 $0x4F;
	s7 =	sshrl.u32 s7, $0x3;
	s24 =	sshrl.u32 s8, $0x3  }
0xd: {  	s25 =	sshrl.u32 s9, $0x3;
	s9 =	sshrl.u32 s30, $0x2;
	s8 =	smax.u32 s29, $0x1  }
0xe: {  	s23 =	sadd.s32 s7, s5;
	s26 =	sadd.s32 s24, s5;
	s12 =	sadd.s32 s25, s5  }
0xf: {  	s5 =	simm.s32 $0x28;
	s7 =	sor.u32 $0x1C01, s31;
	s9 =	sadd.s32 s9, s3  }
0x10: {  	s5 =	simm.s32 @!p0 $0x27;
	p0 =	slt.u32 s0, $0x2;
	s10 =	sadd.s32 $0x45800, s26  }
0x11: {  	s11 =	sadd.s32 $0xA13600, s23;
	s12 =	sadd.s32 $0x4F600, s12;
	s6 =	simm.s32 @!p0 $0x4E  }
.LBB2_1:
0x12: {  	p0 =	sne.s32 s5, $0x1  }
.Ltmp0:
0x13: {  	_ = 	snop;
	(pc) =	sbr.rel @!p0 .LBB2_3-.Ltmp0, $4  }
0x14: {  	s17 =	sshrl.u32 s9, $0x3  }
0x15: {  	[spmem:s17], [sflag:s7] =	dma.local [hbm:s2], $0x120  }
0x16: {  	_ =	swait.ge [sflag:s13], $0x120  }
0x17: {  	s18 =	sadd.s32 $0xFFFFFFFF, s5;
	s19 =	sadd.s32 $0x900, s9;
	[sflag:s13] =	ssyncset.done $0x0  }
.LBB2_2:
0x18: {  	s20 =	sshrl.u32 s19, $0x3;
	[sflag:s13] =	ssyncadd.s32 $0xFFFFFEE0;
	p1 =	sne.s32 s18, $0x1  }
0x19: {  	[spmem:s20], [sflag:s7] =	dma.local [hbm:s2], $0x120  }
.Ltmp1:
0x1a: {  	_ = 	snop;
	(pc) =	sbr.rel @p1 .LBB2_2-.Ltmp1, $4  }
0x1b: {  	_ = 	snop  }
0x1c: {  	s18 =	sadd.s32 $0xFFFFFFFF, s18  }
0x1d: {  	_ =	swait.ge [sflag:s13], $0x120  }
0x1e: {  	s19 =	sadd.s32 $0x900, s19;
	[sflag:s13] =	ssyncset.done $0x0  }
.LBB2_3:
0x1f: {  	[sflag:s13] =	ssyncadd.s32 $0xFFFFFEE0  }
0x20: {  	[bflag:$0x0] =	sbarrier.arrive $0xFFFF  }
0x21: {  	[tilespmem:s14], [sflag:$0x1] =	stream.linear.gather [hbm4b:s10+s4], $0x80, $0x38;
	[tilespmem:$0x1A810] =	vst v63  }
0x22: {  	_ =	swait.ge [sflag:s13], $0x80  }
0x23: {  	[sflag:s13] =	ssyncset.done $0x0  }
0x24: {  	[sflag:s13] =	ssyncadd.s32 $0xFFFFFF80  }
0x25: {  	[tilespmem:s4], [sflag:$0x1] =	stream.linear.gather [hbm4b:s11+s4], $0x4800, $0x38;
	[tilespmem:$0x1A810] =	vst v63  }
0x26: {  	p1 =	sne.s32 s6, $0x1;
	_ =	swait.ge [sflag:s13], $0x4800  }
.Ltmp2:
0x27: {  	[sflag:s13] =	ssyncset.done $0x0;
	(pc) =	sbr.rel @!p1 .LBB2_5-.Ltmp2, $4  }
0x28: {  	[sflag:s13] =	ssyncadd.s32 $0xFFFFB800  }
0x29: {  	[spmem:s3] =	stream.indirect.scatter.add.f32 [tilespmem:s4], [sflag:$0x1], $0x90, s14, s15, $0xb8;
	[tilespmem:$0x1A810] =	vst v63  }
0x2a: {  	s18 =	sadd.s32 $0xFFFFFFFF, s6;
	_ =	swait.ge [sflag:s13], $0x4800  }
0x2b: {  	s19 =	smov.u32 s10;
	s20 =	smov.u32 s11;
	[sflag:s13] =	ssyncset.done $0x0  }
.LBB2_4:
0x2c: {  	[sflag:s13] =	ssyncadd.s32 $0xFFFFB800;
	s19 =	sadd.s32 $0x200, s19;
	s20 =	sadd.s32 $0x12000, s20  }
0x2d: {  	[tilespmem:s14], [sflag:$0x1] =	stream.linear.gather [hbm4b:s19+s4], $0x80, $0x38;
	[tilespmem:$0x1A810] =	vst v63  }
0x2e: {  	p1 =	sne.s32 s18, $0x1;
	s18 =	sadd.s32 $0xFFFFFFFF, s18;
	_ =	swait.ge [sflag:s13], $0x80  }
0x2f: {  	[sflag:s13] =	ssyncset.done $0x0  }
0x30: {  	[sflag:s13] =	ssyncadd.s32 $0xFFFFFF80  }
0x31: {  	[tilespmem:s4], [sflag:$0x1] =	stream.linear.gather [hbm4b:s20+s4], $0x4800, $0x38;
	[tilespmem:$0x1A810] =	vst v63  }
0x32: {  	_ =	swait.ge [sflag:s13], $0x4800  }
.Ltmp3:
0x33: {  	[sflag:s13] =	ssyncset.done $0x0;
	(pc) =	sbr.rel @p1 .LBB2_4-.Ltmp3, $4  }
0x34: {  	[sflag:s13] =	ssyncadd.s32 $0xFFFFB800  }
0x35: {  	[spmem:s3] =	stream.indirect.scatter.add.f32 [tilespmem:s4], [sflag:$0x1], $0x90, s14, s15, $0xb8;
	[tilespmem:$0x1A810] =	vst v63  }
0x36: {  	_ =	swait.ge [sflag:s13], $0x4800  }
0x37: {  	[sflag:s13] =	ssyncset.done $0x0  }
.LBB2_5:
.Ltmp4:
0x38: {  	[sflag:s13] =	ssyncadd.s32 $0xFFFFB800;
	(pc) =	sbr.rel @!p0 .LBB2_7-.Ltmp4, $4  }
0x39: {  	[bflag:$0x0] =	sbarrier.arrive $0xFFFF  }
0x3a: {  	[hbm:s12], [sflag:s7] =	dma.local [spmem:s17], $0x120  }
0x3b: {  	s18 =	sadd.s32 $0x900, s9;
	_ =	swait.ge [sflag:s13], $0x120  }
0x3c: {  	s19 =	smov.u32 s12;
	s17 =	sadd.s32 $0xFFFFFFFF, s5;
	[sflag:s13] =	ssyncset.done $0x0  }
.LBB2_6:
0x3d: {  	s20 =	sshrl.u32 s18, $0x3  }
0x3e: {  	[sflag:s13] =	ssyncadd.s32 $0xFFFFFEE0;
	s19 =	sadd.s32 $0x120, s19;
	p0 =	sne.s32 s17, $0x1  }
0x3f: {  	[hbm:s19], [sflag:s7] =	dma.local [spmem:s20], $0x120  }
.Ltmp5:
0x40: {  	_ = 	snop;
	(pc) =	sbr.rel @p0 .LBB2_6-.Ltmp5, $4  }
0x41: {  	_ = 	snop  }
0x42: {  	s17 =	sadd.s32 $0xFFFFFFFF, s17  }
0x43: {  	_ =	swait.ge [sflag:s13], $0x120  }
0x44: {  	s18 =	sadd.s32 $0x900, s18;
	[sflag:s13] =	ssyncset.done $0x0  }
.LBB2_7:
0x45: {  	s16 =	sadd.s32 $0x1, s16  }
0x46: {  	p0 =	sne.s32 s16, s8  }
.Ltmp6:
0x47: {  	_ = 	snop;
	(pc) =	sbr.rel @p0 .LBB2_1-.Ltmp6, $2  }
0x48: {  	_ =	sdelay $0x2  }
0x49: {  	[sflag:s13] =	ssyncadd.s32 $0xFFFFFEE0  }
0x4a: {  	_ =	sfence.sel $0x180000  }
0x4b: {  	[bflag:$0x0] =	sbarrier.arrive $0xFFFF  }
0x4c: {  	p0 =	sne.s32 s0, $0x0;
	_ =	strace $0x9000004A  }
0x4d: {  	s0 =	sadd.s32 @!p0 $0x100000, s1;
	[bflag:$0x2] =	sbarrier.arrive $0xFFFF  }
0x4e: {  	[sflag:s0] =	ssyncadd.tile.s32 @!p0 $0x1;
	_ =	shalt  }
.Lfunc_end2:
_tile_overlayer_lowered:
.L_overlay_start_2:
0x4f: {  	(tag) =	ssettag $0x2  }
0x50: {  	s0 =	rddreg [dreg:$0x0];
	s2 =	stileid.u32  }
0x51: {  	s1 =	rddreg [dreg:$0x1];
	p0 =	sne.s32 s2, $0x0  }
0x52: {  	s3 =	rddreg [dreg:$0x2];
	[bflag:$0x3] =	sbarrier.arrive $0xFFFF;
	s2 =	simm.s32 @!p0 $0x1C01  }
0x53: {  	[timem:s3], [sflag:s2] =	dma.local @!p0 [hbm:s0], s1  }
0x54: {  	s0 =	simm.s32 @!p0 $0x1  }
0x55: {  	_ =	swait.ge @!p0 [sflag:s0], s1  }
0x56: {  	s1 =	ssub.s32 @!p0 $0x0, s1;
	[sflag:s0] =	ssyncset.done @!p0 $0x0  }
0x57: {  	[sflag:s0] =	ssyncadd.s32 @!p0 s1  }
0x58: {  	[bflag:$0x3] =	sbarrier.arrive $0xFFFF  }
0x59: {  	_ =	shalt  }

// kernel: kernel.7.cloned.1.call-start
scs
__scs_entry_jumppad:
0x0: {  	(pc) =	sbr.rel $0x88, $3  }
0x1: {  	(tag) =	ssettag $0x0;
	lr =	simm.s32 $0x1  }
0x2: {  	[smem:$0x3F90] =	sst lr;
	_ =	strace $0xD0000000  }
0x3: {  	_ = 	snop  }
0x4: {  	_ = 	snop  }
0x5: {  	_ = 	snop  }
0x6: {  	_ = 	snop  }
0x7: {  	_ = 	snop  }
__scs_overlays_trampoline_lowered:
0x8: {  	[smem:$0x3F9F] =	sst s0  }
0x9: {  	[smem:$0x3FA0] =	sst s1  }
0xa: {  	[smem:$0x3FA1] =	sst s2  }
0xb: {  	[smem:$0x3FA2] =	sst s3  }
0xc: {  	[smem:$0x3FA3] =	sst s4  }
0xd: {  	[smem:$0x3FA4] =	sst s5  }
0xe: {  	[smem:$0x3FA5] =	sst s6  }
0xf: {  	[smem:$0x3FA6] =	sst s7  }
0x10: {  	[smem:$0x3FA7] =	sst s8  }
0x11: {  	[smem:$0x3FA8] =	sst s9;
	s0 =	simm.s32 @!p0 $0x0  }
0x12: {  	s1 =	sld [smem:$0x3F8E];
	s0 =	simm.s32 @p0 $0x1  }
0x13: {  	[smem:$0x3FA9] =	sst s0;
	s0 =	simm.s32 @!p1 $0x0  }
0x14: {  	s2 =	sld [smem:$0x3F8D];
	s0 =	simm.s32 @p1 $0x1  }
0x15: {  	[smem:$0x3FAA] =	sst s0;
	s0 =	simm.s32 @!p2 $0x0  }
0x16: {  	s3 =	sld [smem:$0x3FDB];
	s0 =	simm.s32 @p2 $0x1  }
0x17: {  	s4 =	simm.s32 $0x1BF5;
	[smem:$0x3FAC] =	sst s0  }
0x18: {  	s0 =	sld [smem:$0x3F8F];
	_ =	swait.ge [sflag:s4], $0x0  }
0x19: {  	s7 =	sld [smem:$0x3F90]  }
0x1a: {  	s8 =	sadd.s32 $0xFFFFE003, lr  }
0x1b: {  	s9 =	sadd.s32 $0xFFFFFEF7, lr;
	s5 =	simm.s32 $0xFFFFFFFF;
	p2 =	slt.u32 s8, $0xFFFFF086  }
0x1c: {  	p1 =	slt.u32 s9, $0xF7A;
	s5 =	simm.s32 @!p2 $0x0  }
0x1d: {  	s5 =	simm.s32 @p1 $0x1;
	p0 =	seq.s32 s7, s2  }
0x1e: {  	s7 =	smul.u32 @!p0 $0xF7A, s2;
	p2 =	seq.s32 @!p0 s5, $0x0  }
0x1f: {  	s9 =	smul.u32 $0xF7A, s1;
	s8 =	simm.s32 @!p0 $0x1BF5;
	p2 =	por !p2, p0  }
0x20: {  	[sflag:s8] =	ssyncset.s32 @!p0 $0xFFFFF086;
	s6 =	sadd.s32 @!p0 s3, s7;
	s7 =	simm.s32 @!p0 $0x108  }
0x21: {  	s3 =	sadd.s32 s3, s9;
	s6 =	sadd.s32 @!p0 $0x88, s6;
	s7 =	simm.s32 @p2 $0x1082  }
0x22: {  	[simem:s7], [sflag:s8] =	dma.local @!p0 [hbm:s6], $0xF7A  }
0x23: {  	s9 =	sor.u32 $0xD0000000, s2;
	s6 =	simm.s32 $0x108;
	_ =	swait.ge @!p0 [sflag:s8], $0x0  }
0x24: {  	s3 =	sadd.s32 $0x88, s3;
	s6 =	simm.s32 @!p1 $0x1082;
	[sflag:s4] =	ssyncset.s32 $0xFFFFF086  }
0x25: {  	[simem:s6], [sflag:s4] =	dma.local [hbm:s3], $0xF7A  }
0x26: {  	[smem:$0x3F90] =	sst s1;
	(tag) =	ssettag s2;
	_ =	strace s9  }
0x27: {  	s1 =	sld [smem:$0x3FA0]  }
0x28: {  	s2 =	sld [smem:$0x3FA1]  }
0x29: {  	s4 =	sld [smem:$0x3FA3]  }
0x2a: {  	p0 =	seq.s32 s5, $0x0;
	s5 =	sld [smem:$0x3FA4]  }
0x2b: {  	s6 =	sld [smem:$0x3FA5]  }
0x2c: {  	s7 =	sld [smem:$0x3FA6]  }
0x2d: {  	s3 =	simm.s32 $0x108;
	s8 =	sld [smem:$0x3FA7]  }
0x2e: {  	s3 =	simm.s32 @!p0 $0x1082;
	s9 =	sld [smem:$0x3FA8]  }
0x2f: {  	lr =	sadd.s32 s0, s3;
	s0 =	sld [smem:$0x3F9F]  }
0x30: {  	s3 =	sld [smem:$0x3FA2]  }
0x31: {  	[smem:$0x3FAB] =	sst s10  }
0x32: {  	s10 =	sld [smem:$0x3FA9];
	_ =	sdelay $0x3  }
0x33: {  	p0 =	seq.s32 s10, $0x1;
	s10 =	sld [smem:$0x3FAB];
	_ =	sdelay $0x3  }
0x34: {  	[smem:$0x3FAB] =	sst s10  }
0x35: {  	s10 =	sld [smem:$0x3FAA];
	_ =	sdelay $0x3  }
0x36: {  	p1 =	seq.s32 s10, $0x1;
	s10 =	sld [smem:$0x3FAB];
	_ =	sdelay $0x3  }
0x37: {  	[smem:$0x3FAB] =	sst s10  }
0x38: {  	s10 =	sld [smem:$0x3FAC]  }
0x39: {  	_ = 	snop;
	(pc) =	sbr.ind lr, $3  }
0x3a: {  	_ = 	snop  }
0x3b: {  	_ = 	snop  }
0x3c: {  	p2 =	seq.s32 s10, $0x1;
	s10 =	sld [smem:$0x3FAB]  }
0x3d: {  	_ =	shalt  }
0x3e: {  	_ =	shalt  }
0x3f: {  	_ =	shalt  }
0x40: {  	_ =	shalt  }
0x41: {  	_ =	shalt  }
0x42: {  	_ =	shalt  }
0x43: {  	_ =	shalt  }
0x44: {  	_ =	shalt  }
0x45: {  	_ =	shalt  }
0x46: {  	_ =	shalt  }
0x47: {  	_ =	shalt  }
0x48: {  	_ =	shalt  }
0x49: {  	_ =	shalt  }
0x4a: {  	_ =	shalt  }
0x4b: {  	_ =	shalt  }
0x4c: {  	_ =	shalt  }
0x4d: {  	_ =	shalt  }
0x4e: {  	_ =	shalt  }
0x4f: {  	_ =	shalt  }
0x50: {  	_ =	shalt  }
0x51: {  	_ =	shalt  }
0x52: {  	_ =	shalt  }
0x53: {  	_ =	shalt  }
0x54: {  	_ =	shalt  }
0x55: {  	_ =	shalt  }
0x56: {  	_ =	shalt  }
0x57: {  	_ =	shalt  }
0x58: {  	_ =	shalt  }
0x59: {  	_ =	shalt  }
0x5a: {  	_ =	shalt  }
0x5b: {  	_ =	shalt  }
0x5c: {  	_ =	shalt  }
0x5d: {  	_ =	shalt  }
0x5e: {  	_ =	shalt  }
0x5f: {  	_ =	shalt  }
0x60: {  	_ =	shalt  }
0x61: {  	_ =	shalt  }
0x62: {  	_ =	shalt  }
0x63: {  	_ =	shalt  }
0x64: {  	_ =	shalt  }
0x65: {  	_ =	shalt  }
0x66: {  	_ =	shalt  }
0x67: {  	_ =	shalt  }
0x68: {  	_ =	shalt  }
0x69: {  	_ =	shalt  }
0x6a: {  	_ =	shalt  }
0x6b: {  	_ =	shalt  }
0x6c: {  	_ =	shalt  }
0x6d: {  	_ =	shalt  }
0x6e: {  	_ =	shalt  }
0x6f: {  	_ =	shalt  }
0x70: {  	_ =	shalt  }
0x71: {  	_ =	shalt  }
0x72: {  	_ =	shalt  }
0x73: {  	_ =	shalt  }
0x74: {  	_ =	shalt  }
0x75: {  	_ =	shalt  }
0x76: {  	_ =	shalt  }
0x77: {  	_ =	shalt  }
0x78: {  	_ =	shalt  }
0x79: {  	_ =	shalt  }
0x7a: {  	_ =	shalt  }
0x7b: {  	_ =	shalt  }
0x7c: {  	_ =	shalt  }
0x7d: {  	_ =	shalt  }
0x7e: {  	_ =	shalt  }
0x7f: {  	_ =	shalt  }
0x80: {  	_ =	shalt  }
0x81: {  	_ =	shalt  }
0x82: {  	_ =	shalt  }
0x83: {  	_ =	shalt  }
0x84: {  	_ =	shalt  }
0x85: {  	_ =	shalt  }
0x86: {  	_ =	shalt  }
0x87: {  	_ =	shalt  }
.Lfunc_end0:
.L_simem_size_0:
called_computation_lowered:
.L_overlay_start_0:
0x88: {  	s2 =	sld [smem:$0x3FD9]  }
0x89: {  	s3 =	sld [smem:$0x3FFE];
	_ =	sdelay $0x1  }
0x8a: {  	s1 =	srdreg.scid  }
0x8b: {  	s0 =	sand.u32 $0x1, s1  }
0x8c: {  	s16 =	sshll.u32 s0, $0xA;
	s2 =	sadd.s32 s3, s2  }
0x8d: {  	s2 =	sadd.s32 s2, s16  }
0x8e: {  	[smem:$0x3FB7] =	sst s2  }
0x8f: {  	_ = 	snop  }
0x90: {  	(tm) =	ssettm $0x1  }
0x91: {  	s17 =	sld [smem:$0x3FFB];
	_ =	sdelay $0x3  }
0x92: {  	_ =	strace s17  }
0x93: {  	s2 =	sld [smem:$0x3FFC];
	_ =	sdelay $0x3  }
0x94: {  	_ =	strace s2  }
0x95: {  	s2 =	sld [smem:$0x3FFD];
	_ =	sdelay $0x3  }
0x96: {  	_ =	strace s2  }
0x97: {  	_ =	strace $0x8FFFFFFF  }
0x98: {  	s18 =	sld [smem:$0x3FDB];
	_ =	sdelay $0x1  }
0x99: {  	s19 =	simm.s32 $_scs_section_size  }
0x9a: {  	s4 =	simm.s32 $_size__tile_overlayer_lowered;
	s5 =	simm.s32 $_tile_overlayer_lowered  }
0x9b: {  	s22 =	simm.s32 $0x1BFF;
	s21 =	sshll.u32 s5, $0x1;
	s2 =	sadd.s32 s19, s18  }
0x9c: {  	s6 =	simm.s32 $0x0;
	s20 =	sshll.u32 s4, $0x1;
	s4 =	sadd.s32 s21, s2  }
0x9d: {  	[timem:s6], [sflag:s22] =	dma.local [hbm:s4], s20  }
0x9e: {  	_ =	swait.ge [sflag:s22], s20  }
0x9f: {  	s3 =	ssub.s32 $0x0, s20;
	[sflag:s22] =	ssyncset.done $0x0  }
0xa0: {  	[sflag:s22] =	ssyncadd.s32 s3;
	_ =	sdelay $0x1  }
0xa1: {  	s23 =	simm.s32 $0x1B8B  }
0xa2: {  	_ =	swait.ge [sflag:s23], $0x1  }
0xa3: {  	[sflag:s23] =	ssyncset.done $0x0  }
0xa4: {  	s25 =	simm.s32 $0x1B8E;
	s24 =	sld [smem:$0x3FFE];
	[sflag:s23] =	ssyncadd.s32 $0xFFFFFFFF  }
0xa5: {  	s26 =	simm.s32 $execute0_lowered;
	[smem:$0x3FD2] =	sst s25  }
0xa6: {  	s4 =	sshll.u32 s26, $0x1;
	_ =	strace $0x80000046;
	[dreg:$0x1] =	wrdreg $0xFFFFFFFF  }
0xa7: {  	s28 =	simm.s32 $_size_execute0_lowered;
	s2 =	sadd.s32 s2, s4;
	[dreg:$0x0] =	wrdreg $0x0  }
0xa8: {  	s4 =	sshll.u32 s28, $0x1;
	[dreg:$0x2] =	wrdreg s2  }
0xa9: {  	[dreg:$0x3] =	wrdreg s4  }
0xaa: {  	[dreg:$0x4] =	wrdreg $0xC0  }
0xab: {  	_ =	task [dreg:s6], $0x5FFFF  }
0xac: {  	[dreg:$0x1] =	wrdreg $0xFFFFFFFF  }
0xad: {  	[dreg:$0x0] =	wrdreg $0x60  }
0xae: {  	[dreg:$0x2] =	wrdreg s24  }
0xaf: {  	[dreg:$0x3] =	wrdreg $0x9  }
0xb0: {  	_ =	task.clear_ibuf [dreg:s6], $0x4FFFF;
	_ =	strace $0x90000046  }
0xb1: {  	s29 =	simm.s32 $0x9;
	_ =	strace $0x80000048  }
0xb2: {  	_ =	swait.ge [sflag:s29], $0x1  }
0xb3: {  	[sflag:s29] =	ssyncadd.s32 $0xFFFFFFFF  }
0xb4: {  	_ =	strace $0x90000048  }
0xb5: {  	_ =	sfence  }
0xb6: {  	s30 =	sld [smem:$0x0];
	_ =	sdelay $0x2  }
0xb7: {  	s31 =	sshll.u32 s1, $0xD;
	s1 =	sshrl.u32 s1, $0x2  }
0xb8: {  	s3 =	sand.u32 $0x4000, s31;
	s1 =	sadd.s32 s1, s30  }
0xb9: {  	s0 =	sor.u32 s3, s0;
	s1 =	sshll.u32 s1, $0x11  }
0xba: {  	s0 =	sor.u32 s1, s0  }
0xbb: {  	s0 =	sadd.s32 $0x8F2B, s0  }
0xbc: {  	[sflag:s0] =	ssyncadd.remote.s32 $0x1  }
0xbd: {  	_ =	sfence.sel $0xFFFF  }
0xbe: {  	[dreg:$0x0] =	wrdreg $0xFFFFFFFF;
	(pc) =	sbr.abs _section_cstart, $3  }
0xbf: {  	[dreg:$0x1] =	wrdreg $0xFFFFFFFF  }
0xc0: {  	_ =	task.clear_ibuf [dreg:s6], $0x2FFFF;
	_ =	strace $0x9FFFFFFF  }
0xc1: {  	(tm) =	ssettm $0x7FFFFFFF  }
tec
execute0_lowered:
.L_overlay_start_1:
0x0: {  	(tag) =	ssettag $0x1  }
0x1: {  	s6 =	rddreg [dreg:$0x0]  }
0x2: {  	s0 =	rddreg [dreg:$0x1]  }
0x3: {  	s2 =	simm.s32 $0x0;
	s3 =	srdreg.scid;
	s1 =	stileid.u32  }
0x4: {  	s12 =	simm.s32 $0x80;
	s13 =	simm.s32 $0x100;
	s14 =	simm.s32 $0x4900  }
0x5: {  	s15 =	simm.s32 $0x1;
	s16 =	simm.s32 $0x2;
	s17 =	simm.s32 $0x0  }
0x6: {  	[smem:$0x7FF] =	sst s2;
	s5 =	sand.u32 $0x1, s3;
	s7 =	smul.u32 $0x9000, s1  }
0x7: {  	s4 =	sshll.u32 s1, $0x8;
	s3 =	sadd.s32 $0x53A00, s6;
	p0 =	slt.u32 s1, $0x2  }
0x8: {  	s8 =	sshll.u32 s5, $0x7;
	s9 =	smul.u32 $0x4800, s5;
	_ =	strace $0x80000047  }
0x9: {  	s30 =	ssub.s32 $0x2, s5;
	s5 =	simm.s32 $0x4F;
	s8 =	sor.u32 s8, s4  }
0xa: {  	s4 =	sadd.s32 $0x5800, s6;
	s10 =	sshrl.u32 s30, $0x1;
	s7 =	sadd.s32 s9, s7  }
0xb: {  	s5 =	simm.s32 @!p0 $0x4E;
	s8 =	sshrl.u32 s8, $0x3;
	s7 =	sshrl.u32 s7, $0x3  }
0xc: {  	s31 =	ssub.s32 s30, s10;
	s8 =	sadd.s32 s8, s6;
	s11 =	sadd.s32 s7, s6  }
0xd: {  	s6 =	smax.u32 s31, $0x1;
	s7 =	sadd.s32 $0x31800, s8;
	s8 =	sadd.s32 $0x3B600, s8  }
0xe: {  	s9 =	sadd.s32 $0x7FA00, s11;
	s10 =	sadd.s32 $0x5FDE00, s11;
	s11 =	simm.s32 $0x3  }
.LBB2_1:
0xf: {  	[tilespmem:s2], [sflag:$0x3] =	stream.linear.gather [hbm4b:s8+s2], $0x80, $0x38;
	[tilespmem:$0x9100] =	vst v63  }
0x10: {  	_ =	swait.ge [sflag:s11], $0x80  }
0x11: {  	[sflag:s11] =	ssyncset.done $0x0  }
0x12: {  	[sflag:s11] =	ssyncadd.s32 $0xFFFFFF80  }
0x13: {  	[tilespmem:s12], [sflag:$0x3] =	stream.linear.gather [hbm4b:s7+s2], $0x80, $0x38;
	[tilespmem:$0x9100] =	vst v63  }
0x14: {  	_ =	swait.ge [sflag:s11], $0x80  }
0x15: {  	[sflag:s11] =	ssyncset.done $0x0  }
0x16: {  	[sflag:s11] =	ssyncadd.s32 $0xFFFFFF80  }
0x17: {  	[tilespmem:s13], [sflag:$0x1] =	stream.indirect.gather [hbm4b:s3+s12], $0x90, s12, s12, $0xb8;
	[tilespmem:$0x9100] =	vst v63  }
0x18: {  	_ = 	snop  }
0x19: {  	[tilespmem:s14], [sflag:$0x2] =	stream.indirect.gather [hbm4b:s4+s12], $0x90, s2, s12, $0xb8;
	[tilespmem:$0x9100] =	vst v63  }
0x1a: {  	_ =	swait.ge [sflag:s15], $0x4800  }
0x1b: {  	[sflag:s15] =	ssyncset.done $0x0  }
0x1c: {  	[sflag:s15] =	ssyncadd.s32 $0xFFFFB800  }
0x1d: {  	_ =	swait.ge [sflag:s16], $0x4800  }
0x1e: {  	[sflag:s16] =	ssyncset.done $0x0  }
0x1f: {  	[sflag:s16] =	ssyncadd.s32 $0xFFFFB800  }
0x20: {  	[hbm4b:s10+s2] =	stream.linear.scatter [tilespmem:s13], [sflag:$0x3], $0x4800, $0x38;
	[tilespmem:$0x9100] =	vst v63  }
0x21: {  	p0 =	sne.s32 s5, $0x1;
	_ =	swait.ge [sflag:s11], $0x4800  }
.Ltmp0:
0x22: {  	[sflag:s11] =	ssyncset.done $0x0;
	(pc) =	sbr.rel @!p0 .LBB2_3-.Ltmp0, $4  }
0x23: {  	s18 =	sadd.s32 $0xFFFFFFFF, s5;
	[sflag:s11] =	ssyncadd.s32 $0xFFFFB800  }
0x24: {  	[hbm4b:s9+s2] =	stream.linear.scatter [tilespmem:s14], [sflag:$0x3], $0x4800, $0x38;
	[tilespmem:$0x9100] =	vst v63  }
0x25: {  	s19 =	sadd.s32 $0x12000, s9;
	s20 =	sadd.s32 $0x12000, s10;
	_ =	swait.ge [sflag:s11], $0x4800  }
0x26: {  	s21 =	smov.u32 s7;
	s22 =	smov.u32 s8;
	[sflag:s11] =	ssyncset.done $0x0  }
.LBB2_2:
0x27: {  	[sflag:s11] =	ssyncadd.s32 $0xFFFFB800;
	s21 =	sadd.s32 $0x200, s21;
	s22 =	sadd.s32 $0x200, s22  }
0x28: {  	[tilespmem:s2], [sflag:$0x3] =	stream.linear.gather [hbm4b:s22+s2], $0x80, $0x38;
	[tilespmem:$0x9100] =	vst v63  }
0x29: {  	p0 =	sne.s32 s18, $0x1;
	s18 =	sadd.s32 $0xFFFFFFFF, s18;
	_ =	swait.ge [sflag:s11], $0x80  }
0x2a: {  	[sflag:s11] =	ssyncset.done $0x0  }
0x2b: {  	[sflag:s11] =	ssyncadd.s32 $0xFFFFFF80  }
0x2c: {  	[tilespmem:s12], [sflag:$0x3] =	stream.linear.gather [hbm4b:s21+s2], $0x80, $0x38;
	[tilespmem:$0x9100] =	vst v63  }
0x2d: {  	_ =	swait.ge [sflag:s11], $0x80  }
0x2e: {  	[sflag:s11] =	ssyncset.done $0x0  }
0x2f: {  	[sflag:s11] =	ssyncadd.s32 $0xFFFFFF80  }
0x30: {  	[tilespmem:s13], [sflag:$0x1] =	stream.indirect.gather [hbm4b:s3+s12], $0x90, s12, s12, $0xb8;
	[tilespmem:$0x9100] =	vst v63  }
0x31: {  	_ = 	snop  }
0x32: {  	[tilespmem:s14], [sflag:$0x2] =	stream.indirect.gather [hbm4b:s4+s12], $0x90, s2, s12, $0xb8;
	[tilespmem:$0x9100] =	vst v63  }
0x33: {  	_ =	swait.ge [sflag:s15], $0x4800  }
0x34: {  	[sflag:s15] =	ssyncset.done $0x0  }
0x35: {  	[sflag:s15] =	ssyncadd.s32 $0xFFFFB800  }
0x36: {  	_ =	swait.ge [sflag:s16], $0x4800  }
0x37: {  	[sflag:s16] =	ssyncset.done $0x0  }
0x38: {  	[sflag:s16] =	ssyncadd.s32 $0xFFFFB800  }
0x39: {  	[hbm4b:s20+s2] =	stream.linear.scatter [tilespmem:s13], [sflag:$0x3], $0x4800, $0x38;
	[tilespmem:$0x9100] =	vst v63  }
0x3a: {  	_ =	swait.ge [sflag:s11], $0x4800  }
.Ltmp1:
0x3b: {  	[sflag:s11] =	ssyncset.done $0x0;
	(pc) =	sbr.rel @p0 .LBB2_2-.Ltmp1, $4  }
0x3c: {  	[sflag:s11] =	ssyncadd.s32 $0xFFFFB800  }
0x3d: {  	[hbm4b:s19+s2] =	stream.linear.scatter [tilespmem:s14], [sflag:$0x3], $0x4800, $0x38;
	[tilespmem:$0x9100] =	vst v63  }
0x3e: {  	_ =	swait.ge [sflag:s11], $0x4800  }
0x3f: {  	s20 =	sadd.s32 $0x12000, s20;
	s19 =	sadd.s32 $0x12000, s19;
	[sflag:s11] =	ssyncset.done $0x0  }
.LBB2_3:
0x40: {  	s17 =	sadd.s32 $0x1, s17  }
0x41: {  	p0 =	sne.s32 s17, s6  }
.Ltmp2:
0x42: {  	_ = 	snop;
	(pc) =	sbr.rel @p0 .LBB2_1-.Ltmp2, $2  }
0x43: {  	_ =	sdelay $0x2  }
0x44: {  	[sflag:s11] =	ssyncadd.s32 $0xFFFFB800  }
0x45: {  	_ =	sfence.sel $0x180000  }
0x46: {  	[bflag:$0x0] =	sbarrier.arrive $0xFFFF  }
0x47: {  	p0 =	sne.s32 s1, $0x0;
	_ =	strace $0x90000047  }
0x48: {  	s0 =	sadd.s32 @!p0 $0x100000, s0;
	[bflag:$0x2] =	sbarrier.arrive $0xFFFF  }
0x49: {  	[sflag:s0] =	ssyncadd.tile.s32 @!p0 $0x1;
	_ =	shalt  }
.Lfunc_end2:
_tile_overlayer_lowered:
.L_overlay_start_2:
0x4a: {  	(tag) =	ssettag $0x2  }
0x4b: {  	s0 =	rddreg [dreg:$0x0];
	s2 =	stileid.u32  }
0x4c: {  	s1 =	rddreg [dreg:$0x1];
	p0 =	sne.s32 s2, $0x0  }
0x4d: {  	s3 =	rddreg [dreg:$0x2];
	[bflag:$0x3] =	sbarrier.arrive $0xFFFF;
	s2 =	simm.s32 @!p0 $0x1C03  }
0x4e: {  	[timem:s3], [sflag:s2] =	dma.local @!p0 [hbm:s0], s1  }
0x4f: {  	s0 =	simm.s32 @!p0 $0x3  }
0x50: {  	_ =	swait.ge @!p0 [sflag:s0], s1  }
0x51: {  	s1 =	ssub.s32 @!p0 $0x0, s1;
	[sflag:s0] =	ssyncset.done @!p0 $0x0  }
0x52: {  	[sflag:s0] =	ssyncadd.s32 @!p0 s1  }
0x53: {  	[bflag:$0x3] =	sbarrier.arrive $0xFFFF  }
0x54: {  	_ =	shalt  }

</sc_bundles>
